<compile_context>
chip_gen: v7x
topology: tpu7x:2x2x1
jax: 0.10.2.dev20260603
libtpu: 0.0.44.dev20260713+nightly
codegen_flags: <defaults>
</compile_context>

<pallas_src>
import functools

import jax
import jax.numpy as jnp
from jax import lax
from jax.experimental import pallas as pl
from jax.experimental.pallas import tpu as pltpu
from jax.experimental.pallas import tpu_sc as plsc

B = 4096
D_DENSE = 13
N_SPARSE = 100
EMB = 128
VOCAB = 101
JROWS = 104
VCOLS = 128
NW = 32
ROWS_PER_W = B // NW
GROUPS = ROWS_PER_W // 16
UNROLL = 4


def _tc_body(emb_ref, ws_ref, den_ref, wd_ref, b_ref, bias_ref, v_ref, p_ref):
    emb = emb_ref[...]
    row = lax.broadcasted_iota(jnp.int32, (VOCAB, EMB), 0)
    emb = jnp.where(row == 0, 0.0, emb)
    v_ref[:N_SPARSE, :VOCAB] = lax.dot_general(
        ws_ref[...], emb, (((1,), (1,)), ((), ())),
        precision=lax.Precision.HIGHEST,
        preferred_element_type=jnp.float32)
    c = b_ref[0, 0] + bias_ref[0, 0]
    p = lax.dot_general(
        wd_ref[...], den_ref[...], (((1,), (0,)), ((), ())),
        preferred_element_type=jnp.float32)
    p_ref[...] = p + c


_tc_call = pl.pallas_call(
    _tc_body,
    out_shape=[
        jax.ShapeDtypeStruct((JROWS, VCOLS), jnp.float32),
        jax.ShapeDtypeStruct((1, B), jnp.float32),
    ],
    in_specs=[
        pl.BlockSpec(memory_space=pltpu.VMEM),
        pl.BlockSpec(memory_space=pltpu.VMEM),
        pl.BlockSpec(memory_space=pltpu.VMEM),
        pl.BlockSpec(memory_space=pltpu.VMEM),
        pl.BlockSpec(memory_space=pltpu.SMEM),
        pl.BlockSpec(memory_space=pltpu.SMEM),
    ],
)

_mesh = plsc.VectorSubcoreMesh(
    core_axis_name="c", subcore_axis_name="s", num_cores=2, num_subcores=16)


@functools.partial(
    pl.kernel,
    out_type=jax.ShapeDtypeStruct((B,), jnp.float32),
    mesh=_mesh,
    scratch_types=[
        pltpu.VMEM((JROWS, VCOLS), jnp.float32),
        pltpu.VMEM((N_SPARSE, ROWS_PER_W), jnp.int32),
        pltpu.VMEM((ROWS_PER_W,), jnp.float32),
        pltpu.VMEM((ROWS_PER_W,), jnp.float32),
        pltpu.SemaphoreType.DMA,
    ],
    compiler_params=pltpu.CompilerParams(needs_layout_passes=False),
)
def _sc_kernel(v_hbm, idx_hbm, p_hbm, out_hbm, v_v, idx_v, p_v, o_v, sem):
    wid = lax.axis_index("s") * 2 + lax.axis_index("c")
    base = wid * ROWS_PER_W
    c1 = pltpu.async_copy(v_hbm, v_v, sem)
    c2 = pltpu.async_copy(idx_hbm.at[:, pl.ds(base, ROWS_PER_W)], idx_v, sem)
    c3 = pltpu.async_copy(p_hbm.at[pl.ds(base, ROWS_PER_W)], p_v, sem)
    c1.wait()
    c2.wait()
    c3.wait()
    lanes = lax.iota(jnp.int32, 16)
    for g in range(GROUPS):
        cols = lanes + g * 16

        def body(jj, acc, cols=cols):
            j0 = jj * UNROLL
            vals = []
            for u in range(UNROLL):
                jv = jnp.full((16,), j0 + u, jnp.int32)
                voc = plsc.load_gather(idx_v, [jv, cols])
                vals.append(plsc.load_gather(v_v, [jv, voc]))
            return acc + ((vals[0] + vals[1]) + (vals[2] + vals[3]))

        acc = lax.fori_loop(0, N_SPARSE // UNROLL, body,
                            jnp.zeros((16,), jnp.float32))
        acc = acc + p_v[pl.ds(g * 16, 16)]
        o_v[pl.ds(g * 16, 16)] = 1.0 / (1.0 + jnp.exp(-acc))
    pltpu.sync_copy(o_v, out_hbm.at[pl.ds(base, ROWS_PER_W)])


def kernel(dense_features, sparse_features, emb_table, W, b, bias):
    idx_t = sparse_features.astype(jnp.int32).T
    den_t = dense_features.T
    wd = W[:, :D_DENSE]
    ws = W[0, D_DENSE:].reshape(N_SPARSE, EMB)
    v, p = _tc_call(emb_table, ws, den_t, wd,
                    b.reshape(1, 1), bias.reshape(1, 1))
    return _sc_kernel(v, idx_t, p.reshape(B))

# --- scband reference (transcript-rebuilt; emitter-appended) ---
"""Pipeline reference for scband-logistic-regression-5798205849707 (READ-ONLY COPY).

The authoritative reference and input builder live on the scoring server;
editing this copy changes nothing except your own understanding.
"""

import jax, jax.numpy as jnp
import numpy as np

B = 4096
D_DENSE = 13
N_SPARSE = 100
EMB = 128
VOCAB = 1 + N_SPARSE


def setup_inputs(seed: int = 0) -> dict:
    key = jax.random.key(seed)
    k1, k2, k3, k4, k5 = jax.random.split(key, 5)
    dense_features = jax.random.normal(k1, (B, D_DENSE), dtype=jnp.float32)
    sparse_features = jax.random.randint(k2, (B, N_SPARSE), 0, VOCAB, dtype=jnp.int64)
    emb_table = jax.random.normal(k3, (VOCAB, EMB), dtype=jnp.float32)
    emb_table = emb_table.at[0].set(0.0)  # padding_idx=0
    in_features = D_DENSE + N_SPARSE * EMB
    bound = 1.0 / np.sqrt(in_features)
    W = jax.random.uniform(k4, (1, in_features), minval=-bound, maxval=bound, dtype=jnp.float32)
    b = jax.random.uniform(k5, (1,), minval=-bound, maxval=bound, dtype=jnp.float32)
    bias = jnp.zeros((1,), dtype=jnp.float32)
    return {"dense_features": dense_features, "sparse_features": sparse_features,
            "emb_table": emb_table, "W": W, "b": b, "bias": bias}


def reference(dense_features, sparse_features, emb_table, W, b, bias):
    # nn.Embedding with padding_idx=0: row 0 contributes zeros
    tbl = emb_table.at[0].set(jnp.zeros((EMB,), dtype=emb_table.dtype))
    sparse_embeddings = jnp.take(tbl, sparse_features, axis=0)  # [B, N_SPARSE, EMB]
    sparse_embeddings = sparse_embeddings.reshape(sparse_features.shape[0], -1)
    feature = jnp.concatenate([dense_features, sparse_embeddings], axis=1)
    output = feature @ W.T + b
    output = output + bias
    output = jax.nn.sigmoid(output)
    return output.squeeze()

if __name__ == "__main__":
    import jax
    _d = setup_inputs()
    print(jax.jit(kernel)(*tuple(_d.values())))

</pallas_src>

<mosaic_0001>
#map = affine_map<(d0, d1) -> (0, 0)>
#map1 = affine_map<(d0, d1) -> (0)>
module attributes {stable_mosaic.version = 14 : i64} {
  func.func @_sc_kernel(%arg0: i32, %arg1: i32, %arg2: memref<104x128xf32, #tpu.memory_space<hbm>>, %arg3: memref<100x4096xi32, #tpu.memory_space<hbm>>, %arg4: memref<4096xf32, #tpu.memory_space<hbm>>, %arg5: memref<4096xf32, #tpu.memory_space<hbm>>, %arg6: memref<104x128xf32, #tpu.memory_space<vmem>>, %arg7: memref<100x128xi32, #tpu.memory_space<vmem>>, %arg8: memref<128xf32, #tpu.memory_space<vmem>>, %arg9: memref<128xf32, #tpu.memory_space<vmem>>, %arg10: memref<!tpu.dma_semaphore, #tpu.memory_space<semaphore_mem>>) attributes {dimension_semantics = [#tpu.dimension_semantics<core_parallel>, #tpu.dimension_semantics<subcore_parallel>], iteration_bounds = array<i64: 2, 16>, scalar_prefetch = 0 : i64, scratch_operands = 5 : i64, tpu.core_type = #tpu.core_type<sc_vector_subcore>, window_params = [{transform_indices = #map}, {transform_indices = #map}, {transform_indices = #map1}, {transform_indices = #map1}]} {
    %mul3A = arith.constant 2 : i32
    %mul3A_0 = arith.muli %arg1, %mul3A : i32
    %add3A = arith.addi %mul3A_0, %arg0 : i32
    %mul3A_1 = arith.constant 128 : i32
    %mul3A_2 = arith.muli %add3A, %mul3A_1 : i32
    tpu.enqueue_dma source(%arg2 : memref<104x128xf32, #tpu.memory_space<hbm>>) target(%arg6 : memref<104x128xf32, #tpu.memory_space<vmem>>) target_semaphore(%arg10 : memref<!tpu.dma_semaphore, #tpu.memory_space<semaphore_mem>>)
    %dma_start3A = arith.constant 0 : i32
    %dma_start3A_3 = tpu.memref_slice %arg3[%dma_start3A, %mul3A_2] : memref<100x4096xi32, #tpu.memory_space<hbm>> -> memref<100x128xi32, #tpu.memory_space<hbm>>
    %dma_start3A_4 = arith.constant 0 : i32
    %dma_start3A_5 = tpu.memref_slice %arg3[%dma_start3A_4, %mul3A_2] : memref<100x4096xi32, #tpu.memory_space<hbm>> -> memref<100x128xi32, #tpu.memory_space<hbm>>
    tpu.enqueue_dma source(%dma_start3A_5 : memref<100x128xi32, #tpu.memory_space<hbm>>) target(%arg7 : memref<100x128xi32, #tpu.memory_space<vmem>>) target_semaphore(%arg10 : memref<!tpu.dma_semaphore, #tpu.memory_space<semaphore_mem>>)
    %dma_start3A_6 = tpu.memref_slice %arg4[%mul3A_2] : memref<4096xf32, #tpu.memory_space<hbm>> -> memref<128xf32, #tpu.memory_space<hbm>>
    %dma_start3A_7 = tpu.memref_slice %arg4[%mul3A_2] : memref<4096xf32, #tpu.memory_space<hbm>> -> memref<128xf32, #tpu.memory_space<hbm>>
    tpu.enqueue_dma source(%dma_start3A_7 : memref<128xf32, #tpu.memory_space<hbm>>) target(%arg8 : memref<128xf32, #tpu.memory_space<vmem>>) target_semaphore(%arg10 : memref<!tpu.dma_semaphore, #tpu.memory_space<semaphore_mem>>)
    tpu.wait_dma2 semaphore(%arg10 : memref<!tpu.dma_semaphore, #tpu.memory_space<semaphore_mem>>) src(%arg2 : memref<104x128xf32, #tpu.memory_space<hbm>>) dst(%arg6 : memref<104x128xf32, #tpu.memory_space<vmem>>)
    %dma_wait3A = arith.constant 0 : i32
    %dma_wait3A_8 = tpu.memref_slice %arg3[%dma_wait3A, %mul3A_2] : memref<100x4096xi32, #tpu.memory_space<hbm>> -> memref<100x128xi32, #tpu.memory_space<hbm>>
    %dma_wait3A_9 = arith.constant 0 : i32
    %dma_wait3A_10 = tpu.memref_slice %arg3[%dma_wait3A_9, %mul3A_2] : memref<100x4096xi32, #tpu.memory_space<hbm>> -> memref<100x128xi32, #tpu.memory_space<hbm>>
    tpu.wait_dma2 semaphore(%arg10 : memref<!tpu.dma_semaphore, #tpu.memory_space<semaphore_mem>>) src(%dma_wait3A_10 : memref<100x128xi32, #tpu.memory_space<hbm>>) dst(%arg7 : memref<100x128xi32, #tpu.memory_space<vmem>>)
    %dma_wait3A_11 = tpu.memref_slice %arg4[%mul3A_2] : memref<4096xf32, #tpu.memory_space<hbm>> -> memref<128xf32, #tpu.memory_space<hbm>>
    %dma_wait3A_12 = tpu.memref_slice %arg4[%mul3A_2] : memref<4096xf32, #tpu.memory_space<hbm>> -> memref<128xf32, #tpu.memory_space<hbm>>
    tpu.wait_dma2 semaphore(%arg10 : memref<!tpu.dma_semaphore, #tpu.memory_space<semaphore_mem>>) src(%dma_wait3A_12 : memref<128xf32, #tpu.memory_space<hbm>>) dst(%arg8 : memref<128xf32, #tpu.memory_space<vmem>>)
    %iota3A = tpu.iota {dimensions = array<i32: 0>} : vector<16xi32>
    %add3A_13 = arith.constant 0 : i32
    %add3A_14 = vector.broadcast %add3A_13 : i32 to vector<16xi32>
    %add3A_15 = arith.addi %iota3A, %add3A_14 : vector<16xi32>
    %broadcast_in_dim3A = arith.constant 0.000000e+00 : f32
    %broadcast_in_dim3A_16 = vector.broadcast %broadcast_in_dim3A : f32 to vector<16xf32>
    %scan3A = arith.constant 0 : i32
    %scan3A_17 = arith.constant 25 : i32
    %scan3A_18 = arith.addi %scan3A, %scan3A_17 : i32
    %scan3A_19 = arith.constant 1 : i32
    %scan3A_20 = scf.for %scan3A_214 = %scan3A to %scan3A_18 step %scan3A_19 iter_args(%scan3A_215 = %broadcast_in_dim3A_16) -> (vector<16xf32>)  : i32 {
      %mul3A_216 = arith.constant 4 : i32
      %mul3A_217 = arith.muli %scan3A_214, %mul3A_216 : i32
      %add3A_218 = arith.constant 0 : i32
      %add3A_219 = arith.addi %mul3A_217, %add3A_218 : i32
      %broadcast_in_dim3A_220 = vector.broadcast %add3A_219 : i32 to vector<16xi32>
      %gather3A = tpu.vector_load_idx %arg7[%broadcast_in_dim3A_220, %add3A_15] : memref<100x128xi32, #tpu.memory_space<vmem>>[vector<16xi32>, vector<16xi32>], vector<16xi32>,
      %gather3A_221 = tpu.vector_load_idx %arg6[%broadcast_in_dim3A_220, %gather3A] : memref<104x128xf32, #tpu.memory_space<vmem>>[vector<16xi32>, vector<16xi32>], vector<16xf32>,
      %add3A_222 = arith.constant 1 : i32
      %add3A_223 = arith.addi %mul3A_217, %add3A_222 : i32
      %broadcast_in_dim3A_224 = vector.broadcast %add3A_223 : i32 to vector<16xi32>
      %gather3A_225 = tpu.vector_load_idx %arg7[%broadcast_in_dim3A_224, %add3A_15] : memref<100x128xi32, #tpu.memory_space<vmem>>[vector<16xi32>, vector<16xi32>], vector<16xi32>,
      %gather3A_226 = tpu.vector_load_idx %arg6[%broadcast_in_dim3A_224, %gather3A_225] : memref<104x128xf32, #tpu.memory_space<vmem>>[vector<16xi32>, vector<16xi32>], vector<16xf32>,
      %add3A_227 = arith.constant 2 : i32
      %add3A_228 = arith.addi %mul3A_217, %add3A_227 : i32
      %broadcast_in_dim3A_229 = vector.broadcast %add3A_228 : i32 to vector<16xi32>
      %gather3A_230 = tpu.vector_load_idx %arg7[%broadcast_in_dim3A_229, %add3A_15] : memref<100x128xi32, #tpu.memory_space<vmem>>[vector<16xi32>, vector<16xi32>], vector<16xi32>,
      %gather3A_231 = tpu.vector_load_idx %arg6[%broadcast_in_dim3A_229, %gather3A_230] : memref<104x128xf32, #tpu.memory_space<vmem>>[vector<16xi32>, vector<16xi32>], vector<16xf32>,
      %add3A_232 = arith.constant 3 : i32
      %add3A_233 = arith.addi %mul3A_217, %add3A_232 : i32
      %broadcast_in_dim3A_234 = vector.broadcast %add3A_233 : i32 to vector<16xi32>
      %gather3A_235 = tpu.vector_load_idx %arg7[%broadcast_in_dim3A_234, %add3A_15] : memref<100x128xi32, #tpu.memory_space<vmem>>[vector<16xi32>, vector<16xi32>], vector<16xi32>,
      %gather3A_236 = tpu.vector_load_idx %arg6[%broadcast_in_dim3A_234, %gather3A_235] : memref<104x128xf32, #tpu.memory_space<vmem>>[vector<16xi32>, vector<16xi32>], vector<16xf32>,
      %add3A_237 = arith.addf %gather3A_221, %gather3A_226 : vector<16xf32>
      %add3A_238 = arith.addf %gather3A_231, %gather3A_236 : vector<16xf32>
      %add3A_239 = arith.addf %add3A_237, %add3A_238 : vector<16xf32>
      %add3A_240 = arith.addf %scan3A_215, %add3A_239 : vector<16xf32>
      scf.yield %add3A_240 : vector<16xf32>
    }
    %scan3A_21 = arith.constant 25 : i32
    %get3A = arith.constant 0 : index
    %get3A_22 = tpu.vector_load %arg8[%get3A] {strides = array<i32>} : memref<128xf32, #tpu.memory_space<vmem>>, vector<16xf32>,
    %add3A_23 = arith.addf %scan3A_20, %get3A_22 : vector<16xf32>
    %neg3A = arith.constant 0.000000e+00 : f32
    %neg3A_24 = vector.broadcast %neg3A : f32 to vector<16xf32>
    %neg3A_25 = arith.subf %neg3A_24, %add3A_23 : vector<16xf32>
    %exp3A = math.exp %neg3A_25 : vector<16xf32>
    %add3A_26 = arith.constant 1.000000e+00 : f32
    %add3A_27 = vector.broadcast %add3A_26 : f32 to vector<16xf32>
    %add3A_28 = arith.addf %add3A_27, %exp3A : vector<16xf32>
    %div3A = arith.constant 1.000000e+00 : f32
    %div3A_29 = vector.broadcast %div3A : f32 to vector<16xf32>
    %div3A_30 = arith.divf %div3A_29, %add3A_28 : vector<16xf32>
    %swap3A = arith.constant 0 : index
    %swap3A_31 = tpu.vector_load %arg9[%swap3A] {strides = array<i32>} : memref<128xf32, #tpu.memory_space<vmem>>, vector<16xf32>,
    tpu.vector_store %arg9[%swap3A], %div3A_30 {strides = array<i32>} : memref<128xf32, #tpu.memory_space<vmem>>, vector<16xf32>,
    %add3A_32 = arith.constant 16 : i32
    %add3A_33 = vector.broadcast %add3A_32 : i32 to vector<16xi32>
    %add3A_34 = arith.addi %iota3A, %add3A_33 : vector<16xi32>
    %broadcast_in_dim3A_35 = arith.constant 0.000000e+00 : f32
    %broadcast_in_dim3A_36 = vector.broadcast %broadcast_in_dim3A_35 : f32 to vector<16xf32>
    %scan3A_37 = arith.constant 0 : i32
    %scan3A_38 = arith.constant 25 : i32
    %scan3A_39 = arith.addi %scan3A_37, %scan3A_38 : i32
    %scan3A_40 = arith.constant 1 : i32
    %scan3A_41 = scf.for %scan3A_214 = %scan3A_37 to %scan3A_39 step %scan3A_40 iter_args(%scan3A_215 = %broadcast_in_dim3A_36) -> (vector<16xf32>)  : i32 {
      %mul3A_216 = arith.constant 4 : i32
      %mul3A_217 = arith.muli %scan3A_214, %mul3A_216 : i32
      %add3A_218 = arith.constant 0 : i32
      %add3A_219 = arith.addi %mul3A_217, %add3A_218 : i32
      %broadcast_in_dim3A_220 = vector.broadcast %add3A_219 : i32 to vector<16xi32>
      %gather3A = tpu.vector_load_idx %arg7[%broadcast_in_dim3A_220, %add3A_34] : memref<100x128xi32, #tpu.memory_space<vmem>>[vector<16xi32>, vector<16xi32>], vector<16xi32>,
      %gather3A_221 = tpu.vector_load_idx %arg6[%broadcast_in_dim3A_220, %gather3A] : memref<104x128xf32, #tpu.memory_space<vmem>>[vector<16xi32>, vector<16xi32>], vector<16xf32>,
      %add3A_222 = arith.constant 1 : i32
      %add3A_223 = arith.addi %mul3A_217, %add3A_222 : i32
      %broadcast_in_dim3A_224 = vector.broadcast %add3A_223 : i32 to vector<16xi32>
      %gather3A_225 = tpu.vector_load_idx %arg7[%broadcast_in_dim3A_224, %add3A_34] : memref<100x128xi32, #tpu.memory_space<vmem>>[vector<16xi32>, vector<16xi32>], vector<16xi32>,
      %gather3A_226 = tpu.vector_load_idx %arg6[%broadcast_in_dim3A_224, %gather3A_225] : memref<104x128xf32, #tpu.memory_space<vmem>>[vector<16xi32>, vector<16xi32>], vector<16xf32>,
      %add3A_227 = arith.constant 2 : i32
      %add3A_228 = arith.addi %mul3A_217, %add3A_227 : i32
      %broadcast_in_dim3A_229 = vector.broadcast %add3A_228 : i32 to vector<16xi32>
      %gather3A_230 = tpu.vector_load_idx %arg7[%broadcast_in_dim3A_229, %add3A_34] : memref<100x128xi32, #tpu.memory_space<vmem>>[vector<16xi32>, vector<16xi32>], vector<16xi32>,
      %gather3A_231 = tpu.vector_load_idx %arg6[%broadcast_in_dim3A_229, %gather3A_230] : memref<104x128xf32, #tpu.memory_space<vmem>>[vector<16xi32>, vector<16xi32>], vector<16xf32>,
      %add3A_232 = arith.constant 3 : i32
      %add3A_233 = arith.addi %mul3A_217, %add3A_232 : i32
      %broadcast_in_dim3A_234 = vector.broadcast %add3A_233 : i32 to vector<16xi32>
      %gather3A_235 = tpu.vector_load_idx %arg7[%broadcast_in_dim3A_234, %add3A_34] : memref<100x128xi32, #tpu.memory_space<vmem>>[vector<16xi32>, vector<16xi32>], vector<16xi32>,
      %gather3A_236 = tpu.vector_load_idx %arg6[%broadcast_in_dim3A_234, %gather3A_235] : memref<104x128xf32, #tpu.memory_space<vmem>>[vector<16xi32>, vector<16xi32>], vector<16xf32>,
      %add3A_237 = arith.addf %gather3A_221, %gather3A_226 : vector<16xf32>
      %add3A_238 = arith.addf %gather3A_231, %gather3A_236 : vector<16xf32>
      %add3A_239 = arith.addf %add3A_237, %add3A_238 : vector<16xf32>
      %add3A_240 = arith.addf %scan3A_215, %add3A_239 : vector<16xf32>
      scf.yield %add3A_240 : vector<16xf32>
    }
    %scan3A_42 = arith.constant 25 : i32
    %get3A_43 = arith.constant 16 : index
    %get3A_44 = tpu.vector_load %arg8[%get3A_43] {strides = array<i32>} : memref<128xf32, #tpu.memory_space<vmem>>, vector<16xf32>,
    %add3A_45 = arith.addf %scan3A_41, %get3A_44 : vector<16xf32>
    %neg3A_46 = arith.constant 0.000000e+00 : f32
    %neg3A_47 = vector.broadcast %neg3A_46 : f32 to vector<16xf32>
    %neg3A_48 = arith.subf %neg3A_47, %add3A_45 : vector<16xf32>
    %exp3A_49 = math.exp %neg3A_48 : vector<16xf32>
    %add3A_50 = arith.constant 1.000000e+00 : f32
    %add3A_51 = vector.broadcast %add3A_50 : f32 to vector<16xf32>
    %add3A_52 = arith.addf %add3A_51, %exp3A_49 : vector<16xf32>
    %div3A_53 = arith.constant 1.000000e+00 : f32
    %div3A_54 = vector.broadcast %div3A_53 : f32 to vector<16xf32>
    %div3A_55 = arith.divf %div3A_54, %add3A_52 : vector<16xf32>
    %swap3A_56 = arith.constant 16 : index
    %swap3A_57 = tpu.vector_load %arg9[%swap3A_56] {strides = array<i32>} : memref<128xf32, #tpu.memory_space<vmem>>, vector<16xf32>,
    tpu.vector_store %arg9[%swap3A_56], %div3A_55 {strides = array<i32>} : memref<128xf32, #tpu.memory_space<vmem>>, vector<16xf32>,
    %add3A_58 = arith.constant 32 : i32
    %add3A_59 = vector.broadcast %add3A_58 : i32 to vector<16xi32>
    %add3A_60 = arith.addi %iota3A, %add3A_59 : vector<16xi32>
    %broadcast_in_dim3A_61 = arith.constant 0.000000e+00 : f32
    %broadcast_in_dim3A_62 = vector.broadcast %broadcast_in_dim3A_61 : f32 to vector<16xf32>
    %scan3A_63 = arith.constant 0 : i32
    %scan3A_64 = arith.constant 25 : i32
    %scan3A_65 = arith.addi %scan3A_63, %scan3A_64 : i32
    %scan3A_66 = arith.constant 1 : i32
    %scan3A_67 = scf.for %scan3A_214 = %scan3A_63 to %scan3A_65 step %scan3A_66 iter_args(%scan3A_215 = %broadcast_in_dim3A_62) -> (vector<16xf32>)  : i32 {
      %mul3A_216 = arith.constant 4 : i32
      %mul3A_217 = arith.muli %scan3A_214, %mul3A_216 : i32
      %add3A_218 = arith.constant 0 : i32
      %add3A_219 = arith.addi %mul3A_217, %add3A_218 : i32
      %broadcast_in_dim3A_220 = vector.broadcast %add3A_219 : i32 to vector<16xi32>
      %gather3A = tpu.vector_load_idx %arg7[%broadcast_in_dim3A_220, %add3A_60] : memref<100x128xi32, #tpu.memory_space<vmem>>[vector<16xi32>, vector<16xi32>], vector<16xi32>,
      %gather3A_221 = tpu.vector_load_idx %arg6[%broadcast_in_dim3A_220, %gather3A] : memref<104x128xf32, #tpu.memory_space<vmem>>[vector<16xi32>, vector<16xi32>], vector<16xf32>,
      %add3A_222 = arith.constant 1 : i32
      %add3A_223 = arith.addi %mul3A_217, %add3A_222 : i32
      %broadcast_in_dim3A_224 = vector.broadcast %add3A_223 : i32 to vector<16xi32>
      %gather3A_225 = tpu.vector_load_idx %arg7[%broadcast_in_dim3A_224, %add3A_60] : memref<100x128xi32, #tpu.memory_space<vmem>>[vector<16xi32>, vector<16xi32>], vector<16xi32>,
      %gather3A_226 = tpu.vector_load_idx %arg6[%broadcast_in_dim3A_224, %gather3A_225] : memref<104x128xf32, #tpu.memory_space<vmem>>[vector<16xi32>, vector<16xi32>], vector<16xf32>,
      %add3A_227 = arith.constant 2 : i32
      %add3A_228 = arith.addi %mul3A_217, %add3A_227 : i32
      %broadcast_in_dim3A_229 = vector.broadcast %add3A_228 : i32 to vector<16xi32>
      %gather3A_230 = tpu.vector_load_idx %arg7[%broadcast_in_dim3A_229, %add3A_60] : memref<100x128xi32, #tpu.memory_space<vmem>>[vector<16xi32>, vector<16xi32>], vector<16xi32>,
      %gather3A_231 = tpu.vector_load_idx %arg6[%broadcast_in_dim3A_229, %gather3A_230] : memref<104x128xf32, #tpu.memory_space<vmem>>[vector<16xi32>, vector<16xi32>], vector<16xf32>,
      %add3A_232 = arith.constant 3 : i32
      %add3A_233 = arith.addi %mul3A_217, %add3A_232 : i32
      %broadcast_in_dim3A_234 = vector.broadcast %add3A_233 : i32 to vector<16xi32>
      %gather3A_235 = tpu.vector_load_idx %arg7[%broadcast_in_dim3A_234, %add3A_60] : memref<100x128xi32, #tpu.memory_space<vmem>>[vector<16xi32>, vector<16xi32>], vector<16xi32>,
      %gather3A_236 = tpu.vector_load_idx %arg6[%broadcast_in_dim3A_234, %gather3A_235] : memref<104x128xf32, #tpu.memory_space<vmem>>[vector<16xi32>, vector<16xi32>], vector<16xf32>,
      %add3A_237 = arith.addf %gather3A_221, %gather3A_226 : vector<16xf32>
      %add3A_238 = arith.addf %gather3A_231, %gather3A_236 : vector<16xf32>
      %add3A_239 = arith.addf %add3A_237, %add3A_238 : vector<16xf32>
      %add3A_240 = arith.addf %scan3A_215, %add3A_239 : vector<16xf32>
      scf.yield %add3A_240 : vector<16xf32>
    }
    %scan3A_68 = arith.constant 25 : i32
    %get3A_69 = arith.constant 32 : index
    %get3A_70 = tpu.vector_load %arg8[%get3A_69] {strides = array<i32>} : memref<128xf32, #tpu.memory_space<vmem>>, vector<16xf32>,
    %add3A_71 = arith.addf %scan3A_67, %get3A_70 : vector<16xf32>
    %neg3A_72 = arith.constant 0.000000e+00 : f32
    %neg3A_73 = vector.broadcast %neg3A_72 : f32 to vector<16xf32>
    %neg3A_74 = arith.subf %neg3A_73, %add3A_71 : vector<16xf32>
    %exp3A_75 = math.exp %neg3A_74 : vector<16xf32>
    %add3A_76 = arith.constant 1.000000e+00 : f32
    %add3A_77 = vector.broadcast %add3A_76 : f32 to vector<16xf32>
    %add3A_78 = arith.addf %add3A_77, %exp3A_75 : vector<16xf32>
    %div3A_79 = arith.constant 1.000000e+00 : f32
    %div3A_80 = vector.broadcast %div3A_79 : f32 to vector<16xf32>
    %div3A_81 = arith.divf %div3A_80, %add3A_78 : vector<16xf32>
    %swap3A_82 = arith.constant 32 : index
    %swap3A_83 = tpu.vector_load %arg9[%swap3A_82] {strides = array<i32>} : memref<128xf32, #tpu.memory_space<vmem>>, vector<16xf32>,
    tpu.vector_store %arg9[%swap3A_82], %div3A_81 {strides = array<i32>} : memref<128xf32, #tpu.memory_space<vmem>>, vector<16xf32>,
    %add3A_84 = arith.constant 48 : i32
    %add3A_85 = vector.broadcast %add3A_84 : i32 to vector<16xi32>
    %add3A_86 = arith.addi %iota3A, %add3A_85 : vector<16xi32>
    %broadcast_in_dim3A_87 = arith.constant 0.000000e+00 : f32
    %broadcast_in_dim3A_88 = vector.broadcast %broadcast_in_dim3A_87 : f32 to vector<16xf32>
    %scan3A_89 = arith.constant 0 : i32
    %scan3A_90 = arith.constant 25 : i32
    %scan3A_91 = arith.addi %scan3A_89, %scan3A_90 : i32
    %scan3A_92 = arith.constant 1 : i32
    %scan3A_93 = scf.for %scan3A_214 = %scan3A_89 to %scan3A_91 step %scan3A_92 iter_args(%scan3A_215 = %broadcast_in_dim3A_88) -> (vector<16xf32>)  : i32 {
      %mul3A_216 = arith.constant 4 : i32
      %mul3A_217 = arith.muli %scan3A_214, %mul3A_216 : i32
      %add3A_218 = arith.constant 0 : i32
      %add3A_219 = arith.addi %mul3A_217, %add3A_218 : i32
      %broadcast_in_dim3A_220 = vector.broadcast %add3A_219 : i32 to vector<16xi32>
      %gather3A = tpu.vector_load_idx %arg7[%broadcast_in_dim3A_220, %add3A_86] : memref<100x128xi32, #tpu.memory_space<vmem>>[vector<16xi32>, vector<16xi32>], vector<16xi32>,
      %gather3A_221 = tpu.vector_load_idx %arg6[%broadcast_in_dim3A_220, %gather3A] : memref<104x128xf32, #tpu.memory_space<vmem>>[vector<16xi32>, vector<16xi32>], vector<16xf32>,
      %add3A_222 = arith.constant 1 : i32
      %add3A_223 = arith.addi %mul3A_217, %add3A_222 : i32
      %broadcast_in_dim3A_224 = vector.broadcast %add3A_223 : i32 to vector<16xi32>
      %gather3A_225 = tpu.vector_load_idx %arg7[%broadcast_in_dim3A_224, %add3A_86] : memref<100x128xi32, #tpu.memory_space<vmem>>[vector<16xi32>, vector<16xi32>], vector<16xi32>,
      %gather3A_226 = tpu.vector_load_idx %arg6[%broadcast_in_dim3A_224, %gather3A_225] : memref<104x128xf32, #tpu.memory_space<vmem>>[vector<16xi32>, vector<16xi32>], vector<16xf32>,
      %add3A_227 = arith.constant 2 : i32
      %add3A_228 = arith.addi %mul3A_217, %add3A_227 : i32
      %broadcast_in_dim3A_229 = vector.broadcast %add3A_228 : i32 to vector<16xi32>
      %gather3A_230 = tpu.vector_load_idx %arg7[%broadcast_in_dim3A_229, %add3A_86] : memref<100x128xi32, #tpu.memory_space<vmem>>[vector<16xi32>, vector<16xi32>], vector<16xi32>,
      %gather3A_231 = tpu.vector_load_idx %arg6[%broadcast_in_dim3A_229, %gather3A_230] : memref<104x128xf32, #tpu.memory_space<vmem>>[vector<16xi32>, vector<16xi32>], vector<16xf32>,
      %add3A_232 = arith.constant 3 : i32
      %add3A_233 = arith.addi %mul3A_217, %add3A_232 : i32
      %broadcast_in_dim3A_234 = vector.broadcast %add3A_233 : i32 to vector<16xi32>
      %gather3A_235 = tpu.vector_load_idx %arg7[%broadcast_in_dim3A_234, %add3A_86] : memref<100x128xi32, #tpu.memory_space<vmem>>[vector<16xi32>, vector<16xi32>], vector<16xi32>,
      %gather3A_236 = tpu.vector_load_idx %arg6[%broadcast_in_dim3A_234, %gather3A_235] : memref<104x128xf32, #tpu.memory_space<vmem>>[vector<16xi32>, vector<16xi32>], vector<16xf32>,
      %add3A_237 = arith.addf %gather3A_221, %gather3A_226 : vector<16xf32>
      %add3A_238 = arith.addf %gather3A_231, %gather3A_236 : vector<16xf32>
      %add3A_239 = arith.addf %add3A_237, %add3A_238 : vector<16xf32>
      %add3A_240 = arith.addf %scan3A_215, %add3A_239 : vector<16xf32>
      scf.yield %add3A_240 : vector<16xf32>
    }
    %scan3A_94 = arith.constant 25 : i32
    %get3A_95 = arith.constant 48 : index
    %get3A_96 = tpu.vector_load %arg8[%get3A_95] {strides = array<i32>} : memref<128xf32, #tpu.memory_space<vmem>>, vector<16xf32>,
    %add3A_97 = arith.addf %scan3A_93, %get3A_96 : vector<16xf32>
    %neg3A_98 = arith.constant 0.000000e+00 : f32
    %neg3A_99 = vector.broadcast %neg3A_98 : f32 to vector<16xf32>
    %neg3A_100 = arith.subf %neg3A_99, %add3A_97 : vector<16xf32>
    %exp3A_101 = math.exp %neg3A_100 : vector<16xf32>
    %add3A_102 = arith.constant 1.000000e+00 : f32
    %add3A_103 = vector.broadcast %add3A_102 : f32 to vector<16xf32>
    %add3A_104 = arith.addf %add3A_103, %exp3A_101 : vector<16xf32>
    %div3A_105 = arith.constant 1.000000e+00 : f32
    %div3A_106 = vector.broadcast %div3A_105 : f32 to vector<16xf32>
    %div3A_107 = arith.divf %div3A_106, %add3A_104 : vector<16xf32>
    %swap3A_108 = arith.constant 48 : index
    %swap3A_109 = tpu.vector_load %arg9[%swap3A_108] {strides = array<i32>} : memref<128xf32, #tpu.memory_space<vmem>>, vector<16xf32>,
    tpu.vector_store %arg9[%swap3A_108], %div3A_107 {strides = array<i32>} : memref<128xf32, #tpu.memory_space<vmem>>, vector<16xf32>,
    %add3A_110 = arith.constant 64 : i32
    %add3A_111 = vector.broadcast %add3A_110 : i32 to vector<16xi32>
    %add3A_112 = arith.addi %iota3A, %add3A_111 : vector<16xi32>
    %broadcast_in_dim3A_113 = arith.constant 0.000000e+00 : f32
    %broadcast_in_dim3A_114 = vector.broadcast %broadcast_in_dim3A_113 : f32 to vector<16xf32>
    %scan3A_115 = arith.constant 0 : i32
    %scan3A_116 = arith.constant 25 : i32
    %scan3A_117 = arith.addi %scan3A_115, %scan3A_116 : i32
    %scan3A_118 = arith.constant 1 : i32
    %scan3A_119 = scf.for %scan3A_214 = %scan3A_115 to %scan3A_117 step %scan3A_118 iter_args(%scan3A_215 = %broadcast_in_dim3A_114) -> (vector<16xf32>)  : i32 {
      %mul3A_216 = arith.constant 4 : i32
      %mul3A_217 = arith.muli %scan3A_214, %mul3A_216 : i32
      %add3A_218 = arith.constant 0 : i32
      %add3A_219 = arith.addi %mul3A_217, %add3A_218 : i32
      %broadcast_in_dim3A_220 = vector.broadcast %add3A_219 : i32 to vector<16xi32>
      %gather3A = tpu.vector_load_idx %arg7[%broadcast_in_dim3A_220, %add3A_112] : memref<100x128xi32, #tpu.memory_space<vmem>>[vector<16xi32>, vector<16xi32>], vector<16xi32>,
      %gather3A_221 = tpu.vector_load_idx %arg6[%broadcast_in_dim3A_220, %gather3A] : memref<104x128xf32, #tpu.memory_space<vmem>>[vector<16xi32>, vector<16xi32>], vector<16xf32>,
      %add3A_222 = arith.constant 1 : i32
      %add3A_223 = arith.addi %mul3A_217, %add3A_222 : i32
      %broadcast_in_dim3A_224 = vector.broadcast %add3A_223 : i32 to vector<16xi32>
      %gather3A_225 = tpu.vector_load_idx %arg7[%broadcast_in_dim3A_224, %add3A_112] : memref<100x128xi32, #tpu.memory_space<vmem>>[vector<16xi32>, vector<16xi32>], vector<16xi32>,
      %gather3A_226 = tpu.vector_load_idx %arg6[%broadcast_in_dim3A_224, %gather3A_225] : memref<104x128xf32, #tpu.memory_space<vmem>>[vector<16xi32>, vector<16xi32>], vector<16xf32>,
      %add3A_227 = arith.constant 2 : i32
      %add3A_228 = arith.addi %mul3A_217, %add3A_227 : i32
      %broadcast_in_dim3A_229 = vector.broadcast %add3A_228 : i32 to vector<16xi32>
      %gather3A_230 = tpu.vector_load_idx %arg7[%broadcast_in_dim3A_229, %add3A_112] : memref<100x128xi32, #tpu.memory_space<vmem>>[vector<16xi32>, vector<16xi32>], vector<16xi32>,
      %gather3A_231 = tpu.vector_load_idx %arg6[%broadcast_in_dim3A_229, %gather3A_230] : memref<104x128xf32, #tpu.memory_space<vmem>>[vector<16xi32>, vector<16xi32>], vector<16xf32>,
      %add3A_232 = arith.constant 3 : i32
      %add3A_233 = arith.addi %mul3A_217, %add3A_232 : i32
      %broadcast_in_dim3A_234 = vector.broadcast %add3A_233 : i32 to vector<16xi32>
      %gather3A_235 = tpu.vector_load_idx %arg7[%broadcast_in_dim3A_234, %add3A_112] : memref<100x128xi32, #tpu.memory_space<vmem>>[vector<16xi32>, vector<16xi32>], vector<16xi32>,
      %gather3A_236 = tpu.vector_load_idx %arg6[%broadcast_in_dim3A_234, %gather3A_235] : memref<104x128xf32, #tpu.memory_space<vmem>>[vector<16xi32>, vector<16xi32>], vector<16xf32>,
      %add3A_237 = arith.addf %gather3A_221, %gather3A_226 : vector<16xf32>
      %add3A_238 = arith.addf %gather3A_231, %gather3A_236 : vector<16xf32>
      %add3A_239 = arith.addf %add3A_237, %add3A_238 : vector<16xf32>
      %add3A_240 = arith.addf %scan3A_215, %add3A_239 : vector<16xf32>
      scf.yield %add3A_240 : vector<16xf32>
    }
    %scan3A_120 = arith.constant 25 : i32
    %get3A_121 = arith.constant 64 : index
    %get3A_122 = tpu.vector_load %arg8[%get3A_121] {strides = array<i32>} : memref<128xf32, #tpu.memory_space<vmem>>, vector<16xf32>,
    %add3A_123 = arith.addf %scan3A_119, %get3A_122 : vector<16xf32>
    %neg3A_124 = arith.constant 0.000000e+00 : f32
    %neg3A_125 = vector.broadcast %neg3A_124 : f32 to vector<16xf32>
    %neg3A_126 = arith.subf %neg3A_125, %add3A_123 : vector<16xf32>
    %exp3A_127 = math.exp %neg3A_126 : vector<16xf32>
    %add3A_128 = arith.constant 1.000000e+00 : f32
    %add3A_129 = vector.broadcast %add3A_128 : f32 to vector<16xf32>
    %add3A_130 = arith.addf %add3A_129, %exp3A_127 : vector<16xf32>
    %div3A_131 = arith.constant 1.000000e+00 : f32
    %div3A_132 = vector.broadcast %div3A_131 : f32 to vector<16xf32>
    %div3A_133 = arith.divf %div3A_132, %add3A_130 : vector<16xf32>
    %swap3A_134 = arith.constant 64 : index
    %swap3A_135 = tpu.vector_load %arg9[%swap3A_134] {strides = array<i32>} : memref<128xf32, #tpu.memory_space<vmem>>, vector<16xf32>,
    tpu.vector_store %arg9[%swap3A_134], %div3A_133 {strides = array<i32>} : memref<128xf32, #tpu.memory_space<vmem>>, vector<16xf32>,
    %add3A_136 = arith.constant 80 : i32
    %add3A_137 = vector.broadcast %add3A_136 : i32 to vector<16xi32>
    %add3A_138 = arith.addi %iota3A, %add3A_137 : vector<16xi32>
    %broadcast_in_dim3A_139 = arith.constant 0.000000e+00 : f32
    %broadcast_in_dim3A_140 = vector.broadcast %broadcast_in_dim3A_139 : f32 to vector<16xf32>
    %scan3A_141 = arith.constant 0 : i32
    %scan3A_142 = arith.constant 25 : i32
    %scan3A_143 = arith.addi %scan3A_141, %scan3A_142 : i32
    %scan3A_144 = arith.constant 1 : i32
    %scan3A_145 = scf.for %scan3A_214 = %scan3A_141 to %scan3A_143 step %scan3A_144 iter_args(%scan3A_215 = %broadcast_in_dim3A_140) -> (vector<16xf32>)  : i32 {
      %mul3A_216 = arith.constant 4 : i32
      %mul3A_217 = arith.muli %scan3A_214, %mul3A_216 : i32
      %add3A_218 = arith.constant 0 : i32
      %add3A_219 = arith.addi %mul3A_217, %add3A_218 : i32
      %broadcast_in_dim3A_220 = vector.broadcast %add3A_219 : i32 to vector<16xi32>
      %gather3A = tpu.vector_load_idx %arg7[%broadcast_in_dim3A_220, %add3A_138] : memref<100x128xi32, #tpu.memory_space<vmem>>[vector<16xi32>, vector<16xi32>], vector<16xi32>,
      %gather3A_221 = tpu.vector_load_idx %arg6[%broadcast_in_dim3A_220, %gather3A] : memref<104x128xf32, #tpu.memory_space<vmem>>[vector<16xi32>, vector<16xi32>], vector<16xf32>,
      %add3A_222 = arith.constant 1 : i32
      %add3A_223 = arith.addi %mul3A_217, %add3A_222 : i32
      %broadcast_in_dim3A_224 = vector.broadcast %add3A_223 : i32 to vector<16xi32>
      %gather3A_225 = tpu.vector_load_idx %arg7[%broadcast_in_dim3A_224, %add3A_138] : memref<100x128xi32, #tpu.memory_space<vmem>>[vector<16xi32>, vector<16xi32>], vector<16xi32>,
      %gather3A_226 = tpu.vector_load_idx %arg6[%broadcast_in_dim3A_224, %gather3A_225] : memref<104x128xf32, #tpu.memory_space<vmem>>[vector<16xi32>, vector<16xi32>], vector<16xf32>,
      %add3A_227 = arith.constant 2 : i32
      %add3A_228 = arith.addi %mul3A_217, %add3A_227 : i32
      %broadcast_in_dim3A_229 = vector.broadcast %add3A_228 : i32 to vector<16xi32>
      %gather3A_230 = tpu.vector_load_idx %arg7[%broadcast_in_dim3A_229, %add3A_138] : memref<100x128xi32, #tpu.memory_space<vmem>>[vector<16xi32>, vector<16xi32>], vector<16xi32>,
      %gather3A_231 = tpu.vector_load_idx %arg6[%broadcast_in_dim3A_229, %gather3A_230] : memref<104x128xf32, #tpu.memory_space<vmem>>[vector<16xi32>, vector<16xi32>], vector<16xf32>,
      %add3A_232 = arith.constant 3 : i32
      %add3A_233 = arith.addi %mul3A_217, %add3A_232 : i32
      %broadcast_in_dim3A_234 = vector.broadcast %add3A_233 : i32 to vector<16xi32>
      %gather3A_235 = tpu.vector_load_idx %arg7[%broadcast_in_dim3A_234, %add3A_138] : memref<100x128xi32, #tpu.memory_space<vmem>>[vector<16xi32>, vector<16xi32>], vector<16xi32>,
      %gather3A_236 = tpu.vector_load_idx %arg6[%broadcast_in_dim3A_234, %gather3A_235] : memref<104x128xf32, #tpu.memory_space<vmem>>[vector<16xi32>, vector<16xi32>], vector<16xf32>,
      %add3A_237 = arith.addf %gather3A_221, %gather3A_226 : vector<16xf32>
      %add3A_238 = arith.addf %gather3A_231, %gather3A_236 : vector<16xf32>
      %add3A_239 = arith.addf %add3A_237, %add3A_238 : vector<16xf32>
      %add3A_240 = arith.addf %scan3A_215, %add3A_239 : vector<16xf32>
      scf.yield %add3A_240 : vector<16xf32>
    }
    %scan3A_146 = arith.constant 25 : i32
    %get3A_147 = arith.constant 80 : index
    %get3A_148 = tpu.vector_load %arg8[%get3A_147] {strides = array<i32>} : memref<128xf32, #tpu.memory_space<vmem>>, vector<16xf32>,
    %add3A_149 = arith.addf %scan3A_145, %get3A_148 : vector<16xf32>
    %neg3A_150 = arith.constant 0.000000e+00 : f32
    %neg3A_151 = vector.broadcast %neg3A_150 : f32 to vector<16xf32>
    %neg3A_152 = arith.subf %neg3A_151, %add3A_149 : vector<16xf32>
    %exp3A_153 = math.exp %neg3A_152 : vector<16xf32>
    %add3A_154 = arith.constant 1.000000e+00 : f32
    %add3A_155 = vector.broadcast %add3A_154 : f32 to vector<16xf32>
    %add3A_156 = arith.addf %add3A_155, %exp3A_153 : vector<16xf32>
    %div3A_157 = arith.constant 1.000000e+00 : f32
    %div3A_158 = vector.broadcast %div3A_157 : f32 to vector<16xf32>
    %div3A_159 = arith.divf %div3A_158, %add3A_156 : vector<16xf32>
    %swap3A_160 = arith.constant 80 : index
    %swap3A_161 = tpu.vector_load %arg9[%swap3A_160] {strides = array<i32>} : memref<128xf32, #tpu.memory_space<vmem>>, vector<16xf32>,
    tpu.vector_store %arg9[%swap3A_160], %div3A_159 {strides = array<i32>} : memref<128xf32, #tpu.memory_space<vmem>>, vector<16xf32>,
    %add3A_162 = arith.constant 96 : i32
    %add3A_163 = vector.broadcast %add3A_162 : i32 to vector<16xi32>
    %add3A_164 = arith.addi %iota3A, %add3A_163 : vector<16xi32>
    %broadcast_in_dim3A_165 = arith.constant 0.000000e+00 : f32
    %broadcast_in_dim3A_166 = vector.broadcast %broadcast_in_dim3A_165 : f32 to vector<16xf32>
    %scan3A_167 = arith.constant 0 : i32
    %scan3A_168 = arith.constant 25 : i32
    %scan3A_169 = arith.addi %scan3A_167, %scan3A_168 : i32
    %scan3A_170 = arith.constant 1 : i32
    %scan3A_171 = scf.for %scan3A_214 = %scan3A_167 to %scan3A_169 step %scan3A_170 iter_args(%scan3A_215 = %broadcast_in_dim3A_166) -> (vector<16xf32>)  : i32 {
      %mul3A_216 = arith.constant 4 : i32
      %mul3A_217 = arith.muli %scan3A_214, %mul3A_216 : i32
      %add3A_218 = arith.constant 0 : i32
      %add3A_219 = arith.addi %mul3A_217, %add3A_218 : i32
      %broadcast_in_dim3A_220 = vector.broadcast %add3A_219 : i32 to vector<16xi32>
      %gather3A = tpu.vector_load_idx %arg7[%broadcast_in_dim3A_220, %add3A_164] : memref<100x128xi32, #tpu.memory_space<vmem>>[vector<16xi32>, vector<16xi32>], vector<16xi32>,
      %gather3A_221 = tpu.vector_load_idx %arg6[%broadcast_in_dim3A_220, %gather3A] : memref<104x128xf32, #tpu.memory_space<vmem>>[vector<16xi32>, vector<16xi32>], vector<16xf32>,
      %add3A_222 = arith.constant 1 : i32
      %add3A_223 = arith.addi %mul3A_217, %add3A_222 : i32
      %broadcast_in_dim3A_224 = vector.broadcast %add3A_223 : i32 to vector<16xi32>
      %gather3A_225 = tpu.vector_load_idx %arg7[%broadcast_in_dim3A_224, %add3A_164] : memref<100x128xi32, #tpu.memory_space<vmem>>[vector<16xi32>, vector<16xi32>], vector<16xi32>,
      %gather3A_226 = tpu.vector_load_idx %arg6[%broadcast_in_dim3A_224, %gather3A_225] : memref<104x128xf32, #tpu.memory_space<vmem>>[vector<16xi32>, vector<16xi32>], vector<16xf32>,
      %add3A_227 = arith.constant 2 : i32
      %add3A_228 = arith.addi %mul3A_217, %add3A_227 : i32
      %broadcast_in_dim3A_229 = vector.broadcast %add3A_228 : i32 to vector<16xi32>
      %gather3A_230 = tpu.vector_load_idx %arg7[%broadcast_in_dim3A_229, %add3A_164] : memref<100x128xi32, #tpu.memory_space<vmem>>[vector<16xi32>, vector<16xi32>], vector<16xi32>,
      %gather3A_231 = tpu.vector_load_idx %arg6[%broadcast_in_dim3A_229, %gather3A_230] : memref<104x128xf32, #tpu.memory_space<vmem>>[vector<16xi32>, vector<16xi32>], vector<16xf32>,
      %add3A_232 = arith.constant 3 : i32
      %add3A_233 = arith.addi %mul3A_217, %add3A_232 : i32
      %broadcast_in_dim3A_234 = vector.broadcast %add3A_233 : i32 to vector<16xi32>
      %gather3A_235 = tpu.vector_load_idx %arg7[%broadcast_in_dim3A_234, %add3A_164] : memref<100x128xi32, #tpu.memory_space<vmem>>[vector<16xi32>, vector<16xi32>], vector<16xi32>,
      %gather3A_236 = tpu.vector_load_idx %arg6[%broadcast_in_dim3A_234, %gather3A_235] : memref<104x128xf32, #tpu.memory_space<vmem>>[vector<16xi32>, vector<16xi32>], vector<16xf32>,
      %add3A_237 = arith.addf %gather3A_221, %gather3A_226 : vector<16xf32>
      %add3A_238 = arith.addf %gather3A_231, %gather3A_236 : vector<16xf32>
      %add3A_239 = arith.addf %add3A_237, %add3A_238 : vector<16xf32>
      %add3A_240 = arith.addf %scan3A_215, %add3A_239 : vector<16xf32>
      scf.yield %add3A_240 : vector<16xf32>
    }
    %scan3A_172 = arith.constant 25 : i32
    %get3A_173 = arith.constant 96 : index
    %get3A_174 = tpu.vector_load %arg8[%get3A_173] {strides = array<i32>} : memref<128xf32, #tpu.memory_space<vmem>>, vector<16xf32>,
    %add3A_175 = arith.addf %scan3A_171, %get3A_174 : vector<16xf32>
    %neg3A_176 = arith.constant 0.000000e+00 : f32
    %neg3A_177 = vector.broadcast %neg3A_176 : f32 to vector<16xf32>
    %neg3A_178 = arith.subf %neg3A_177, %add3A_175 : vector<16xf32>
    %exp3A_179 = math.exp %neg3A_178 : vector<16xf32>
    %add3A_180 = arith.constant 1.000000e+00 : f32
    %add3A_181 = vector.broadcast %add3A_180 : f32 to vector<16xf32>
    %add3A_182 = arith.addf %add3A_181, %exp3A_179 : vector<16xf32>
    %div3A_183 = arith.constant 1.000000e+00 : f32
    %div3A_184 = vector.broadcast %div3A_183 : f32 to vector<16xf32>
    %div3A_185 = arith.divf %div3A_184, %add3A_182 : vector<16xf32>
    %swap3A_186 = arith.constant 96 : index
    %swap3A_187 = tpu.vector_load %arg9[%swap3A_186] {strides = array<i32>} : memref<128xf32, #tpu.memory_space<vmem>>, vector<16xf32>,
    tpu.vector_store %arg9[%swap3A_186], %div3A_185 {strides = array<i32>} : memref<128xf32, #tpu.memory_space<vmem>>, vector<16xf32>,
    %add3A_188 = arith.constant 112 : i32
    %add3A_189 = vector.broadcast %add3A_188 : i32 to vector<16xi32>
    %add3A_190 = arith.addi %iota3A, %add3A_189 : vector<16xi32>
    %broadcast_in_dim3A_191 = arith.constant 0.000000e+00 : f32
    %broadcast_in_dim3A_192 = vector.broadcast %broadcast_in_dim3A_191 : f32 to vector<16xf32>
    %scan3A_193 = arith.constant 0 : i32
    %scan3A_194 = arith.constant 25 : i32
    %scan3A_195 = arith.addi %scan3A_193, %scan3A_194 : i32
    %scan3A_196 = arith.constant 1 : i32
    %scan3A_197 = scf.for %scan3A_214 = %scan3A_193 to %scan3A_195 step %scan3A_196 iter_args(%scan3A_215 = %broadcast_in_dim3A_192) -> (vector<16xf32>)  : i32 {
      %mul3A_216 = arith.constant 4 : i32
      %mul3A_217 = arith.muli %scan3A_214, %mul3A_216 : i32
      %add3A_218 = arith.constant 0 : i32
      %add3A_219 = arith.addi %mul3A_217, %add3A_218 : i32
      %broadcast_in_dim3A_220 = vector.broadcast %add3A_219 : i32 to vector<16xi32>
      %gather3A = tpu.vector_load_idx %arg7[%broadcast_in_dim3A_220, %add3A_190] : memref<100x128xi32, #tpu.memory_space<vmem>>[vector<16xi32>, vector<16xi32>], vector<16xi32>,
      %gather3A_221 = tpu.vector_load_idx %arg6[%broadcast_in_dim3A_220, %gather3A] : memref<104x128xf32, #tpu.memory_space<vmem>>[vector<16xi32>, vector<16xi32>], vector<16xf32>,
      %add3A_222 = arith.constant 1 : i32
      %add3A_223 = arith.addi %mul3A_217, %add3A_222 : i32
      %broadcast_in_dim3A_224 = vector.broadcast %add3A_223 : i32 to vector<16xi32>
      %gather3A_225 = tpu.vector_load_idx %arg7[%broadcast_in_dim3A_224, %add3A_190] : memref<100x128xi32, #tpu.memory_space<vmem>>[vector<16xi32>, vector<16xi32>], vector<16xi32>,
      %gather3A_226 = tpu.vector_load_idx %arg6[%broadcast_in_dim3A_224, %gather3A_225] : memref<104x128xf32, #tpu.memory_space<vmem>>[vector<16xi32>, vector<16xi32>], vector<16xf32>,
      %add3A_227 = arith.constant 2 : i32
      %add3A_228 = arith.addi %mul3A_217, %add3A_227 : i32
      %broadcast_in_dim3A_229 = vector.broadcast %add3A_228 : i32 to vector<16xi32>
      %gather3A_230 = tpu.vector_load_idx %arg7[%broadcast_in_dim3A_229, %add3A_190] : memref<100x128xi32, #tpu.memory_space<vmem>>[vector<16xi32>, vector<16xi32>], vector<16xi32>,
      %gather3A_231 = tpu.vector_load_idx %arg6[%broadcast_in_dim3A_229, %gather3A_230] : memref<104x128xf32, #tpu.memory_space<vmem>>[vector<16xi32>, vector<16xi32>], vector<16xf32>,
      %add3A_232 = arith.constant 3 : i32
      %add3A_233 = arith.addi %mul3A_217, %add3A_232 : i32
      %broadcast_in_dim3A_234 = vector.broadcast %add3A_233 : i32 to vector<16xi32>
      %gather3A_235 = tpu.vector_load_idx %arg7[%broadcast_in_dim3A_234, %add3A_190] : memref<100x128xi32, #tpu.memory_space<vmem>>[vector<16xi32>, vector<16xi32>], vector<16xi32>,
      %gather3A_236 = tpu.vector_load_idx %arg6[%broadcast_in_dim3A_234, %gather3A_235] : memref<104x128xf32, #tpu.memory_space<vmem>>[vector<16xi32>, vector<16xi32>], vector<16xf32>,
      %add3A_237 = arith.addf %gather3A_221, %gather3A_226 : vector<16xf32>
      %add3A_238 = arith.addf %gather3A_231, %gather3A_236 : vector<16xf32>
      %add3A_239 = arith.addf %add3A_237, %add3A_238 : vector<16xf32>
      %add3A_240 = arith.addf %scan3A_215, %add3A_239 : vector<16xf32>
      scf.yield %add3A_240 : vector<16xf32>
    }
    %scan3A_198 = arith.constant 25 : i32
    %get3A_199 = arith.constant 112 : index
    %get3A_200 = tpu.vector_load %arg8[%get3A_199] {strides = array<i32>} : memref<128xf32, #tpu.memory_space<vmem>>, vector<16xf32>,
    %add3A_201 = arith.addf %scan3A_197, %get3A_200 : vector<16xf32>
    %neg3A_202 = arith.constant 0.000000e+00 : f32
    %neg3A_203 = vector.broadcast %neg3A_202 : f32 to vector<16xf32>
    %neg3A_204 = arith.subf %neg3A_203, %add3A_201 : vector<16xf32>
    %exp3A_205 = math.exp %neg3A_204 : vector<16xf32>
    %add3A_206 = arith.constant 1.000000e+00 : f32
    %add3A_207 = vector.broadcast %add3A_206 : f32 to vector<16xf32>
    %add3A_208 = arith.addf %add3A_207, %exp3A_205 : vector<16xf32>
    %div3A_209 = arith.constant 1.000000e+00 : f32
    %div3A_210 = vector.broadcast %div3A_209 : f32 to vector<16xf32>
    %div3A_211 = arith.divf %div3A_210, %add3A_208 : vector<16xf32>
    %swap3A_212 = arith.constant 112 : index
    %swap3A_213 = tpu.vector_load %arg9[%swap3A_212] {strides = array<i32>} : memref<128xf32, #tpu.memory_space<vmem>>, vector<16xf32>,
    tpu.vector_store %arg9[%swap3A_212], %div3A_211 {strides = array<i32>} : memref<128xf32, #tpu.memory_space<vmem>>, vector<16xf32>,
    "tpu.region"() ({
      %run_scoped3A = tpu.sem_alloc : memref<!tpu.dma_semaphore, #tpu.memory_space<semaphore_mem>>
      %dma_start3A_214 = tpu.memref_slice %arg5[%mul3A_2] : memref<4096xf32, #tpu.memory_space<hbm>> -> memref<128xf32, #tpu.memory_space<hbm>>
      %dma_start3A_215 = tpu.memref_slice %arg5[%mul3A_2] : memref<4096xf32, #tpu.memory_space<hbm>> -> memref<128xf32, #tpu.memory_space<hbm>>
      tpu.enqueue_dma source(%arg9 : memref<128xf32, #tpu.memory_space<vmem>>) target(%dma_start3A_215 : memref<128xf32, #tpu.memory_space<hbm>>) target_semaphore(%run_scoped3A : memref<!tpu.dma_semaphore, #tpu.memory_space<semaphore_mem>>)
      %dma_wait3A_216 = tpu.memref_slice %arg5[%mul3A_2] : memref<4096xf32, #tpu.memory_space<hbm>> -> memref<128xf32, #tpu.memory_space<hbm>>
      %dma_wait3A_217 = tpu.memref_slice %arg5[%mul3A_2] : memref<4096xf32, #tpu.memory_space<hbm>> -> memref<128xf32, #tpu.memory_space<hbm>>
      tpu.wait_dma2 semaphore(%run_scoped3A : memref<!tpu.dma_semaphore, #tpu.memory_space<semaphore_mem>>) src(%arg9 : memref<128xf32, #tpu.memory_space<vmem>>) dst(%dma_wait3A_217 : memref<128xf32, #tpu.memory_space<hbm>>)
      tpu.yield
    }) : () -> ()
    return
  }
}

module attributes {stable_mosaic.version = 14 : i64} {
  func.func @_tc_body(%arg0: memref<101x128xf32, #tpu.memory_space<vmem>>, %arg1: memref<100x128xf32, #tpu.memory_space<vmem>>, %arg2: memref<13x4096xf32, #tpu.memory_space<vmem>>, %arg3: memref<1x13xf32, #tpu.memory_space<vmem>>, %arg4: memref<1x1xf32, #tpu.memory_space<smem>>, %arg5: memref<1x1xf32, #tpu.memory_space<smem>>, %arg6: memref<104x128xf32, #tpu.memory_space<vmem>>, %arg7: memref<1x4096xf32, #tpu.memory_space<vmem>>) attributes {dimension_semantics = [], scalar_prefetch = 0 : i64, scratch_operands = 0 : i64, tpu.core_type = #tpu.core_type<tc>} {
    %get3A = arith.constant 0 : index
    %get3A_0 = arith.constant 0 : index
    %get3A_1 = vector.load %arg0[%get3A, %get3A_0] : memref<101x128xf32, #tpu.memory_space<vmem>>, vector<101x128xf32>
    %iota3A = tpu.iota {dimensions = array<i32: 0>} : vector<101x128xi32>
    %eq3A = arith.constant 0 : i32
    %eq3A_2 = vector.broadcast %eq3A : i32 to vector<101x128xi32>
    %eq3A_3 = arith.cmpi eq, %iota3A, %eq3A_2 : vector<101x128xi32>
    %jit3A = arith.constant 0.000000e+00 : f32
    %broadcast_in_dim3A = vector.broadcast %jit3A : f32 to vector<101x128xf32>
    %select_n3A = arith.select %eq3A_3, %broadcast_in_dim3A, %get3A_1 : vector<101x128xi1>, vector<101x128xf32>
    %get3A_4 = arith.constant 0 : index
    %get3A_5 = arith.constant 0 : index
    %get3A_6 = vector.load %arg1[%get3A_4, %get3A_5] : memref<100x128xf32, #tpu.memory_space<vmem>>, vector<100x128xf32>
    %dot_general3A = arith.constant dense<0.000000e+00> : vector<100x101xf32>
    %dot_general3A_7 = tpu.matmul %get3A_6, %select_n3A, %dot_general3A {dimension_numbers = #tpu.dot_dimension_numbers<[1], [1], [0], [0], [0, 0, 1, 0], [], []>, precision = #tpu.contract_precision<fp32>, transpose_lhs_hint = false} : vector<100x128xf32>, vector<101x128xf32>, vector<100x101xf32> -> vector<100x101xf32>
    %swap3A = arith.constant 0 : index
    %swap3A_8 = arith.constant 0 : index
    %swap3A_9 = vector.load %arg6[%swap3A, %swap3A_8] : memref<104x128xf32, #tpu.memory_space<vmem>>, vector<100x101xf32>
    tpu.vector_store %arg6[%swap3A, %swap3A_8], %dot_general3A_7 {strides = array<i32>} : memref<104x128xf32, #tpu.memory_space<vmem>>, vector<100x101xf32>,
    %get3A_10 = arith.constant 0 : index
    %get3A_11 = arith.constant 0 : index
    %get3A_12 = memref.load %arg4[%get3A_10, %get3A_11] : memref<1x1xf32, #tpu.memory_space<smem>>
    %get3A_13 = arith.constant 0 : index
    %get3A_14 = arith.constant 0 : index
    %get3A_15 = memref.load %arg5[%get3A_13, %get3A_14] : memref<1x1xf32, #tpu.memory_space<smem>>
    %add3A = arith.addf %get3A_12, %get3A_15 : f32
    %get3A_16 = arith.constant 0 : index
    %get3A_17 = arith.constant 0 : index
    %get3A_18 = vector.load %arg3[%get3A_16, %get3A_17] : memref<1x13xf32, #tpu.memory_space<vmem>>, vector<1x13xf32>
    %get3A_19 = arith.constant 0 : index
    %get3A_20 = arith.constant 0 : index
    %get3A_21 = vector.load %arg2[%get3A_19, %get3A_20] : memref<13x4096xf32, #tpu.memory_space<vmem>>, vector<13x4096xf32>
    %dot_general3A_22 = arith.constant dense<0.000000e+00> : vector<1x4096xf32>
    %dot_general3A_23 = tpu.matmul %get3A_18, %get3A_21, %dot_general3A_22 {dimension_numbers = #tpu.dot_dimension_numbers<[1], [0], [0], [1], [0, 0, 1, 1], [], []>, transpose_lhs_hint = false} : vector<1x13xf32>, vector<13x4096xf32>, vector<1x4096xf32> -> vector<1x4096xf32>
    %add3A_24 = vector.broadcast %add3A : f32 to vector<1x4096xf32>
    %add3A_25 = arith.addf %dot_general3A_23, %add3A_24 : vector<1x4096xf32>
    %swap3A_26 = arith.constant 0 : index
    %swap3A_27 = arith.constant 0 : index
    %swap3A_28 = vector.load %arg7[%swap3A_26, %swap3A_27] : memref<1x4096xf32, #tpu.memory_space<vmem>>, vector<1x4096xf32>
    tpu.vector_store %arg7[%swap3A_26, %swap3A_27], %add3A_25 {strides = array<i32>} : memref<1x4096xf32, #tpu.memory_space<vmem>>, vector<1x4096xf32>,
    return
  }
}

</mosaic_0001>

<sc_bundles>
// kernel: kernel.4.cloned.1.call-start
scs
__scs_entry_jumppad:
0x0: {  	(pc) =	sbr.rel $0x88, $3  }
0x1: {  	(tag) =	ssettag $0x0;
	lr =	simm.s32 $0x1  }
0x2: {  	[smem:$0x3F9B] =	sst lr;
	_ =	strace $0xD0000000  }
0x3: {  	_ = 	snop  }
0x4: {  	_ = 	snop  }
0x5: {  	_ = 	snop  }
0x6: {  	_ = 	snop  }
0x7: {  	_ = 	snop  }
__scs_overlays_trampoline_lowered:
0x8: {  	[smem:$0x3FAA] =	sst s0  }
0x9: {  	[smem:$0x3FAB] =	sst s1  }
0xa: {  	[smem:$0x3FAC] =	sst s2  }
0xb: {  	[smem:$0x3FAD] =	sst s3  }
0xc: {  	[smem:$0x3FAE] =	sst s4  }
0xd: {  	[smem:$0x3FAF] =	sst s5  }
0xe: {  	[smem:$0x3FB0] =	sst s6  }
0xf: {  	[smem:$0x3FB1] =	sst s7  }
0x10: {  	[smem:$0x3FB2] =	sst s8  }
0x11: {  	[smem:$0x3FB3] =	sst s9;
	s0 =	simm.s32 @!p0 $0x0  }
0x12: {  	s1 =	sld [smem:$0x3F99];
	s0 =	simm.s32 @p0 $0x1  }
0x13: {  	[smem:$0x3FB4] =	sst s0;
	s0 =	simm.s32 @!p1 $0x0  }
0x14: {  	s2 =	sld [smem:$0x3F98];
	s0 =	simm.s32 @p1 $0x1  }
0x15: {  	[smem:$0x3FB5] =	sst s0;
	s0 =	simm.s32 @!p2 $0x0  }
0x16: {  	s3 =	sld [smem:$0x3FDB];
	s0 =	simm.s32 @p2 $0x1  }
0x17: {  	s4 =	simm.s32 $0x1BF5;
	[smem:$0x3FB7] =	sst s0  }
0x18: {  	s0 =	sld [smem:$0x3F9A];
	_ =	swait.ge [sflag:s4], $0x0  }
0x19: {  	s7 =	sld [smem:$0x3F9B]  }
0x1a: {  	s8 =	sadd.s32 $0xFFFFE003, lr  }
0x1b: {  	s9 =	sadd.s32 $0xFFFFFEF7, lr;
	s5 =	simm.s32 $0xFFFFFFFF;
	p2 =	slt.u32 s8, $0xFFFFF086  }
0x1c: {  	p1 =	slt.u32 s9, $0xF7A;
	s5 =	simm.s32 @!p2 $0x0  }
0x1d: {  	s5 =	simm.s32 @p1 $0x1;
	p0 =	seq.s32 s7, s2  }
0x1e: {  	s7 =	smul.u32 @!p0 $0xF7A, s2;
	p2 =	seq.s32 @!p0 s5, $0x0  }
0x1f: {  	s9 =	smul.u32 $0xF7A, s1;
	s8 =	simm.s32 @!p0 $0x1BF5;
	p2 =	por !p2, p0  }
0x20: {  	[sflag:s8] =	ssyncset.s32 @!p0 $0xFFFFF086;
	s6 =	sadd.s32 @!p0 s3, s7;
	s7 =	simm.s32 @!p0 $0x108  }
0x21: {  	s3 =	sadd.s32 s3, s9;
	s6 =	sadd.s32 @!p0 $0x88, s6;
	s7 =	simm.s32 @p2 $0x1082  }
0x22: {  	[simem:s7], [sflag:s8] =	dma.local @!p0 [hbm:s6], $0xF7A  }
0x23: {  	s9 =	sor.u32 $0xD0000000, s2;
	s6 =	simm.s32 $0x108;
	_ =	swait.ge @!p0 [sflag:s8], $0x0  }
0x24: {  	s3 =	sadd.s32 $0x88, s3;
	s6 =	simm.s32 @!p1 $0x1082;
	[sflag:s4] =	ssyncset.s32 $0xFFFFF086  }
0x25: {  	[simem:s6], [sflag:s4] =	dma.local [hbm:s3], $0xF7A  }
0x26: {  	[smem:$0x3F9B] =	sst s1;
	(tag) =	ssettag s2;
	_ =	strace s9  }
0x27: {  	s1 =	sld [smem:$0x3FAB]  }
0x28: {  	s2 =	sld [smem:$0x3FAC]  }
0x29: {  	s4 =	sld [smem:$0x3FAE]  }
0x2a: {  	p0 =	seq.s32 s5, $0x0;
	s5 =	sld [smem:$0x3FAF]  }
0x2b: {  	s6 =	sld [smem:$0x3FB0]  }
0x2c: {  	s7 =	sld [smem:$0x3FB1]  }
0x2d: {  	s3 =	simm.s32 $0x108;
	s8 =	sld [smem:$0x3FB2]  }
0x2e: {  	s3 =	simm.s32 @!p0 $0x1082;
	s9 =	sld [smem:$0x3FB3]  }
0x2f: {  	lr =	sadd.s32 s0, s3;
	s0 =	sld [smem:$0x3FAA]  }
0x30: {  	s3 =	sld [smem:$0x3FAD]  }
0x31: {  	[smem:$0x3FB6] =	sst s10  }
0x32: {  	s10 =	sld [smem:$0x3FB4];
	_ =	sdelay $0x3  }
0x33: {  	p0 =	seq.s32 s10, $0x1;
	s10 =	sld [smem:$0x3FB6];
	_ =	sdelay $0x3  }
0x34: {  	[smem:$0x3FB6] =	sst s10  }
0x35: {  	s10 =	sld [smem:$0x3FB5];
	_ =	sdelay $0x3  }
0x36: {  	p1 =	seq.s32 s10, $0x1;
	s10 =	sld [smem:$0x3FB6];
	_ =	sdelay $0x3  }
0x37: {  	[smem:$0x3FB6] =	sst s10  }
0x38: {  	s10 =	sld [smem:$0x3FB7]  }
0x39: {  	_ = 	snop;
	(pc) =	sbr.ind lr, $3  }
0x3a: {  	_ = 	snop  }
0x3b: {  	_ = 	snop  }
0x3c: {  	p2 =	seq.s32 s10, $0x1;
	s10 =	sld [smem:$0x3FB6]  }
0x3d: {  	_ =	shalt  }
0x3e: {  	_ =	shalt  }
0x3f: {  	_ =	shalt  }
0x40: {  	_ =	shalt  }
0x41: {  	_ =	shalt  }
0x42: {  	_ =	shalt  }
0x43: {  	_ =	shalt  }
0x44: {  	_ =	shalt  }
0x45: {  	_ =	shalt  }
0x46: {  	_ =	shalt  }
0x47: {  	_ =	shalt  }
0x48: {  	_ =	shalt  }
0x49: {  	_ =	shalt  }
0x4a: {  	_ =	shalt  }
0x4b: {  	_ =	shalt  }
0x4c: {  	_ =	shalt  }
0x4d: {  	_ =	shalt  }
0x4e: {  	_ =	shalt  }
0x4f: {  	_ =	shalt  }
0x50: {  	_ =	shalt  }
0x51: {  	_ =	shalt  }
0x52: {  	_ =	shalt  }
0x53: {  	_ =	shalt  }
0x54: {  	_ =	shalt  }
0x55: {  	_ =	shalt  }
0x56: {  	_ =	shalt  }
0x57: {  	_ =	shalt  }
0x58: {  	_ =	shalt  }
0x59: {  	_ =	shalt  }
0x5a: {  	_ =	shalt  }
0x5b: {  	_ =	shalt  }
0x5c: {  	_ =	shalt  }
0x5d: {  	_ =	shalt  }
0x5e: {  	_ =	shalt  }
0x5f: {  	_ =	shalt  }
0x60: {  	_ =	shalt  }
0x61: {  	_ =	shalt  }
0x62: {  	_ =	shalt  }
0x63: {  	_ =	shalt  }
0x64: {  	_ =	shalt  }
0x65: {  	_ =	shalt  }
0x66: {  	_ =	shalt  }
0x67: {  	_ =	shalt  }
0x68: {  	_ =	shalt  }
0x69: {  	_ =	shalt  }
0x6a: {  	_ =	shalt  }
0x6b: {  	_ =	shalt  }
0x6c: {  	_ =	shalt  }
0x6d: {  	_ =	shalt  }
0x6e: {  	_ =	shalt  }
0x6f: {  	_ =	shalt  }
0x70: {  	_ =	shalt  }
0x71: {  	_ =	shalt  }
0x72: {  	_ =	shalt  }
0x73: {  	_ =	shalt  }
0x74: {  	_ =	shalt  }
0x75: {  	_ =	shalt  }
0x76: {  	_ =	shalt  }
0x77: {  	_ =	shalt  }
0x78: {  	_ =	shalt  }
0x79: {  	_ =	shalt  }
0x7a: {  	_ =	shalt  }
0x7b: {  	_ =	shalt  }
0x7c: {  	_ =	shalt  }
0x7d: {  	_ =	shalt  }
0x7e: {  	_ =	shalt  }
0x7f: {  	_ =	shalt  }
0x80: {  	_ =	shalt  }
0x81: {  	_ =	shalt  }
0x82: {  	_ =	shalt  }
0x83: {  	_ =	shalt  }
0x84: {  	_ =	shalt  }
0x85: {  	_ =	shalt  }
0x86: {  	_ =	shalt  }
0x87: {  	_ =	shalt  }
.Lfunc_end0:
.L_simem_size_0:
called_computation_lowered:
.L_overlay_start_0:
0x88: {  	s2 =	sld [smem:$0x3FD9]  }
0x89: {  	s3 =	sld [smem:$0x3FFE];
	_ =	sdelay $0x1  }
0x8a: {  	s1 =	srdreg.scid  }
0x8b: {  	s0 =	sand.u32 $0x1, s1  }
0x8c: {  	s17 =	sshll.u32 s0, $0xA;
	s2 =	sadd.s32 s3, s2  }
0x8d: {  	s2 =	sadd.s32 s2, s17  }
0x8e: {  	[smem:$0x3FC2] =	sst s2  }
0x8f: {  	_ = 	snop  }
0x90: {  	s2 =	sld [smem:$0x3FC8]  }
0x91: {  	s18 =	sld [smem:$0x3FD0];
	(tm) =	ssettm $0x1  }
0x92: {  	s4 =	sld [smem:$0x3FFB];
	_ =	sdelay $0x3  }
0x93: {  	_ =	strace s4  }
0x94: {  	s4 =	sld [smem:$0x3FFC];
	_ =	sdelay $0x3  }
0x95: {  	_ =	strace s4  }
0x96: {  	s4 =	sld [smem:$0x3FFD];
	_ =	sdelay $0x3  }
0x97: {  	_ =	strace s4  }
0x98: {  	_ =	strace $0x8FFFFFFF  }
0x99: {  	s19 =	sld [smem:$0x3FDB];
	_ =	sdelay $0x1  }
0x9a: {  	s5 =	simm.s32 $_scs_section_size  }
0x9b: {  	s6 =	simm.s32 $_size__tile_overlayer_lowered;
	s7 =	simm.s32 $_tile_overlayer_lowered  }
0x9c: {  	s22 =	simm.s32 $0x1BFF;
	s21 =	sshll.u32 s7, $0x1;
	s4 =	sadd.s32 s5, s19  }
0x9d: {  	s8 =	simm.s32 $0x0;
	s20 =	sshll.u32 s6, $0x1;
	s6 =	sadd.s32 s21, s4  }
0x9e: {  	[timem:s8], [sflag:s22] =	dma.local [hbm:s6], s20  }
0x9f: {  	_ =	swait.ge [sflag:s22], s20  }
0xa0: {  	s5 =	ssub.s32 $0x0, s20;
	[sflag:s22] =	ssyncset.done $0x0  }
0xa1: {  	[sflag:s22] =	ssyncadd.s32 s5;
	_ =	sdelay $0x1  }
0xa2: {  	s23 =	simm.s32 $0x1B8B  }
0xa3: {  	_ =	swait.ge [sflag:s23], $0x1  }
0xa4: {  	[sflag:s23] =	ssyncset.done $0x0  }
0xa5: {  	s25 =	simm.s32 $0x1B8E;
	s24 =	sld [smem:$0x3FFE];
	[sflag:s23] =	ssyncadd.s32 $0xFFFFFFFF  }
0xa6: {  	s26 =	simm.s32 $execute0_lowered;
	[smem:$0x3FD2] =	sst s25  }
0xa7: {  	s6 =	sshll.u32 s26, $0x1;
	_ =	strace $0x80000046;
	[dreg:$0x1] =	wrdreg $0xFFFFFFFF  }
0xa8: {  	s28 =	simm.s32 $_size_execute0_lowered;
	s4 =	sadd.s32 s4, s6;
	[dreg:$0x0] =	wrdreg $0x0  }
0xa9: {  	s6 =	sshll.u32 s28, $0x1;
	[dreg:$0x2] =	wrdreg s4  }
0xaa: {  	[dreg:$0x3] =	wrdreg s6  }
0xab: {  	[dreg:$0x4] =	wrdreg $0xC0  }
0xac: {  	_ =	task [dreg:s8], $0x5FFFF  }
0xad: {  	[dreg:$0x1] =	wrdreg $0xFFFFFFFF  }
0xae: {  	[dreg:$0x0] =	wrdreg $0x60  }
0xaf: {  	[dreg:$0x2] =	wrdreg s24  }
0xb0: {  	[dreg:$0x3] =	wrdreg s2  }
0xb1: {  	[dreg:$0x4] =	wrdreg s18  }
0xb2: {  	[dreg:$0x5] =	wrdreg $0x9  }
0xb3: {  	_ =	task.clear_ibuf [dreg:s8], $0x6FFFF;
	_ =	strace $0x90000046  }
0xb4: {  	s29 =	simm.s32 $0x9;
	_ =	strace $0x80000048  }
0xb5: {  	_ =	swait.ge [sflag:s29], $0x1  }
0xb6: {  	[sflag:s29] =	ssyncadd.s32 $0xFFFFFFFF  }
0xb7: {  	_ =	strace $0x90000048  }
0xb8: {  	_ =	sfence  }
0xb9: {  	s30 =	sld [smem:$0x0];
	_ =	sdelay $0x2  }
0xba: {  	s31 =	sshll.u32 s1, $0xD;
	s1 =	sshrl.u32 s1, $0x2  }
0xbb: {  	s3 =	sand.u32 $0x4000, s31;
	s1 =	sadd.s32 s1, s30  }
0xbc: {  	s0 =	sor.u32 s3, s0;
	s1 =	sshll.u32 s1, $0x11  }
0xbd: {  	s0 =	sor.u32 s1, s0  }
0xbe: {  	s0 =	sadd.s32 $0x8F2B, s0  }
0xbf: {  	[sflag:s0] =	ssyncadd.remote.s32 $0x1  }
0xc0: {  	_ =	sfence.sel $0xFFFF  }
0xc1: {  	[dreg:$0x0] =	wrdreg $0xFFFFFFFF;
	(pc) =	sbr.abs _section_cstart, $3  }
0xc2: {  	[dreg:$0x1] =	wrdreg $0xFFFFFFFF  }
0xc3: {  	_ =	task.clear_ibuf [dreg:s8], $0x2FFFF;
	_ =	strace $0x9FFFFFFF  }
0xc4: {  	(tm) =	ssettm $0x7FFFFFFF  }
0xc5: {  	_ =	shalt  }
tec
execute0_lowered:
.L_overlay_start_1:
0x0: {  	(tag) =	ssettag $0x1  }
0x1: {  	s5 =	rddreg [dreg:$0x0]  }
0x2: {  	s4 =	rddreg [dreg:$0x1]  }
0x3: {  	s7 =	rddreg [dreg:$0x2]  }
0x4: {  	s0 =	rddreg [dreg:$0x3];
	s2 =	simm.s32 $0x0;
	s3 =	srdreg.scid  }
0x5: {  	s1 =	stileid.u32;
	s11 =	simm.s32 $0x3400;
	s12 =	simm.s32 $0x6400  }
0x6: {  	s13 =	simm.s32 $0x6800;
	s14 =	simm.s32 $0x1;
	s15 =	simm.s32 $0x6880  }
0x7: {  	s16 =	simm.s32 $0x2;
	s17 =	simm.s32 $0x0;
	[smem:$0x7FF] =	sst s2  }
0x8: {  	s6 =	sand.u32 $0x1, s3;
	s30 =	sshll.u32 s1, $0x1;
	s3 =	sadd.s32 $0xA00, s5  }
0x9: {  	_ =	strace $0x80000047;
	s8 =	sor.u32 s6, s30;
	s6 =	ssub.s32 $0x2, s6  }
0xa: {  	v0 =	vlaneseq.u32;
	s9 =	sshll.u32 s8, $0x7;
	s8 =	sshll.u32 s8, $0x4;
	s10 =	sshrl.u32 s6, $0x1  }
0xb: {  	v1 =	vor.u32 $0x10, v0;
	s4 =	sadd.s32 s4, s9;
	s31 =	sadd.s32 s8, s5;
	s10 =	ssub.s32 s6, s10  }
0xc: {  	v2 =	vor.u32 $0x20, v0;
	v3 =	vor.u32 $0x30, v0;
	v4 =	vor.u32 $0x40, v0;
	s7 =	sadd.s32 s7, s8;
	s9 =	simm.s32 $0x400;
	s5 =	sadd.s32 $0xC000, s4  }
0xd: {  	v5 =	vor.u32 $0x50, v0;
	v6 =	vor.u32 $0x60, v0;
	v7 =	vor.u32 $0x70, v0;
	s6 =	sadd.s32 $0x1200, s31;
	s8 =	smax.u32 s10, $0x1;
	s10 =	simm.s32 $0x8000  }
.LBB2_1:
0xe: {  	[tilespmem:s2], [sflag:$0x1] =	stream.linear.gather [hbm4b:s3+s2], $0x3400, $0x38;
	[tilespmem:$0x6900] =	vst v63  }
0xf: {  	_ = 	snop  }
0x10: {  	[tilespmem:s11], [sflag:$0x1] =	stream.strided.gather [hbm4b:s4+s9], $0x3000, s10, s9, $0x38;
	[tilespmem:$0x6900] =	vst v63  }
0x11: {  	_ = 	snop  }
0x12: {  	[tilespmem:s12], [sflag:$0x1] =	stream.linear.gather [hbm4b:s5+s2], $0x200, $0x38;
	[tilespmem:$0x6900] =	vst v63  }
0x13: {  	_ = 	snop  }
0x14: {  	[tilespmem:s13], [sflag:$0x1] =	stream.linear.gather [hbm4b:s6+s2], $0x80, $0x38;
	[tilespmem:$0x6900] =	vst v63  }
0x15: {  	_ =	swait.ge [sflag:s14], $0x3400  }
0x16: {  	[sflag:s14] =	ssyncset.done $0x0  }
0x17: {  	[sflag:s14] =	ssyncadd.s32 $0xFFFFCC00  }
0x18: {  	s19 =	simm.s32 $0x80;
	_ =	swait.ge [sflag:s14], $0x3200  }
0x19: {  	s22 =	simm.s32 $0x0;
	v8 =	vor.u32 s19, v0;
	[sflag:s14] =	ssyncset.done $0x0  }
0x1a: {  	s24 =	simm.s32 $0x280;
	v10 =	vor.u32 s22, v0;
	[sflag:s14] =	ssyncadd.s32 $0xFFFFCE00  }
0x1b: {  	v12 =	vor.u32 s24, v0;
	_ =	swait.ge [sflag:s14], $0x80  }
0x1c: {  	s20 =	simm.s32 $0x180;
	[sflag:s14] =	ssyncset.done $0x0  }
0x1d: {  	v9 =	vor.u32 s20, v0;
	[sflag:s14] =	ssyncadd.s32 $0xFFFFFF80  }
0x1e: {  	s23 =	simm.s32 $0x100;
	v8 =	vld.idx.msk [tilespmem:v8+s11+$0x0], $0xffff  }
0x1f: {  	s29 =	simm.s32 $0x380;
	v11 =	vor.u32 s23, v0;
	v10 =	vld.idx.msk [tilespmem:v10+s11+$0x0], $0xffff  }
0x20: {  	s18 =	simm.s32 $0x300;
	v13 =	vor.u32 s29, v0;
	v12 =	vld.idx.msk [tilespmem:v12+s11+$0x0], $0xffff  }
0x21: {  	s30 =	simm.s32 $0x200;
	v16 =	vor.u32 s18, v0  }
0x22: {  	s31 =	simm.s32 $0x480;
	s21 =	simm.s32 $0x580;
	s25 =	simm.s32 $0x500;
	v14 =	vor.u32 s30, v0;
	v9 =	vld.idx.msk [tilespmem:v9+s11+$0x0], $0xffff  }
0x23: {  	v18 =	vor.u32 s31, v0;
	v19 =	vor.u32 s21, v0;
	v21 =	vor.u32 s25, v0  }
0x24: {  	v11 =	vld.idx.msk [tilespmem:v11+s11+$0x0], $0xffff;
	v15 =	vand.u32 $0xFFFFFF80, v8;
	v8 =	vand.u32 $0x7F, v8;
	v17 =	vand.u32 $0xFFFFFF80, v10  }
0x25: {  	v13 =	vld.idx.msk [tilespmem:v13+s11+$0x0], $0xffff;
	v10 =	vand.u32 $0x7F, v10;
	v22 =	vand.u32 $0xFFFFFF80, v12;
	v15 =	vadd.s32 s19, v15  }
0x26: {  	v16 =	vld.idx.msk [tilespmem:v16+s11+$0x0], $0xffff;
	v12 =	vand.u32 $0x7F, v12;
	v17 =	vadd.s32 s22, v17;
	v15 =	vor.u32 v8, v15  }
0x27: {  	s26 =	simm.s32 $0x400;
	v14 =	vld.idx.msk [tilespmem:v14+s11+$0x0], $0xffff;
	v22 =	vadd.s32 s24, v22;
	v8 =	vand.u32 $0xFFFFFF80, v9;
	v10 =	vor.u32 v10, v17  }
0x28: {  	v27 =	vld.idx.msk [tilespmem:v21+s11+$0x0], $0xffff;
	v9 =	vand.u32 $0x7F, v9;
	v17 =	vor.u32 s26, v0;
	v20 =	vadd.s32 s20, v8  }
0x29: {  	s28 =	simm.s32 $0x680;
	v18 =	vld.idx.msk [tilespmem:v18+s11+$0x0], $0xffff;
	v12 =	vor.u32 v12, v22;
	v9 =	vor.u32 v9, v20;
	v20 =	vand.u32 $0xFFFFFF80, v11  }
0x2a: {  	v23 =	vor.u32 s28, v0;
	v19 =	vld.idx.msk [tilespmem:v19+s11+$0x0], $0xffff;
	v11 =	vand.u32 $0x7F, v11;
	v20 =	vadd.s32 s23, v20  }
0x2b: {  	v26 =	vand.u32 $0xFFFFFF80, v16;
	v11 =	vor.u32 v11, v20;
	v20 =	vand.u32 $0xFFFFFF80, v13;
	v15 =	vld.idx.msk [tilespmem:v15+s2+$0x0], $0xffff  }
0x2c: {  	v16 =	vand.u32 $0x7F, v16;
	s19 =	simm.s32 $0x600;
	v13 =	vand.u32 $0x7F, v13;
	v22 =	vld.idx.msk [tilespmem:v10+s2+$0x0], $0xffff;
	v10 =	vadd.s32 s29, v20  }
0x2d: {  	v32 =	vand.u32 $0x7F, v27;
	s24 =	simm.s32 $0x880;
	v25 =	vor.u32 s19, v0;
	v17 =	vld.idx.msk [tilespmem:v17+s11+$0x0], $0xffff;
	v13 =	vor.u32 v13, v10  }
0x2e: {  	v31 =	vor.u32 s24, v0;
	v8 =	vimm.f32 $0.0e+00;
	s23 =	simm.s32 $0x780;
	v20 =	vand.u32 $0xFFFFFF80, v14;
	v10 =	vld.idx.msk [tilespmem:v12+s2+$0x0], $0xffff  }
0x2f: {  	v14 =	vand.u32 $0x7F, v14;
	v20 =	vadd.s32 s30, v20;
	v24 =	vld.idx.msk [tilespmem:v9+s2+$0x0], $0xffff;
	v9 =	vor.u32 s23, v0  }
0x30: {  	s20 =	simm.s32 $0x700;
	v12 =	vand.u32 $0xFFFFFF80, v19;
	v19 =	vand.u32 $0x7F, v19;
	v14 =	vor.u32 v14, v20;
	v21 =	vld.idx.msk [tilespmem:v11+s2+$0x0], $0xffff  }
0x31: {  	v23 =	vld.idx.msk [tilespmem:v23+s11+$0x0], $0xffff;
	v20 =	vor.u32 s20, v0;
	v11 =	vadd.s32 s18, v26;
	v26 =	vand.u32 $0xFFFFFF80, v18  }
0x32: {  	v18 =	vand.u32 $0x7F, v18;
	v26 =	vadd.s32 s31, v26;
	v28 =	vor.u32 v16, v11;
	v11 =	vld.idx.msk [tilespmem:v13+s2+$0x0], $0xffff  }
0x33: {  	v12 =	vadd.s32 s21, v12;
	s18 =	simm.s32 $0x980;
	v30 =	vor.u32 v18, v26;
	v26 =	vadd.f32 v15, v22;
	v15 =	vld.idx.msk [tilespmem:v25+s11+$0x0], $0xffff  }
0x34: {  	v16 =	vand.u32 $0xFFFFFF80, v17;
	v18 =	vor.u32 s18, v0;
	v22 =	vand.u32 $0xFFFFFF80, v27;
	v29 =	vld.idx.msk [tilespmem:v9+s11+$0x0], $0xffff  }
0x35: {  	s22 =	simm.s32 $0x900;
	s21 =	simm.s32 $0x800;
	v13 =	vand.u32 $0x7F, v17;
	v25 =	vadd.s32 s26, v16;
	v9 =	vld.idx.msk [tilespmem:v14+s2+$0x0], $0xffff;
	v24 =	vadd.f32 v24, v21  }
0x36: {  	v17 =	vor.u32 s22, v0;
	v14 =	vor.u32 s21, v0;
	v16 =	vld.idx.msk [tilespmem:v20+s11+$0x0], $0xffff;
	v21 =	vor.u32 v13, v25  }
0x37: {  	v33 =	vadd.s32 s25, v22;
	v22 =	vor.u32 v19, v12;
	v20 =	vld.idx.msk [tilespmem:v31+s11+$0x0], $0xffff;
	v19 =	vadd.f32 v24, v26  }
0x38: {  	v13 =	vld.idx.msk [tilespmem:v28+s2+$0x0], $0xffff;
	v24 =	vand.u32 $0xFFFFFF80, v23;
	v26 =	vand.u32 $0x7F, v23;
	v23 =	vor.u32 v32, v33  }
0x39: {  	s25 =	simm.s32 $0x17;
	v12 =	vld.idx.msk [tilespmem:v30+s2+$0x0], $0xffff;
	v25 =	vand.u32 $0xFFFFFF80, v29;
	v27 =	vadd.s32 s28, v24;
	v24 =	vand.u32 $0x7F, v29  }
.LBB2_2:
0x3a: {  	s26 =	sshll.u32 s25, $0x7;
	p0 =	sne.s32 s25, $0x63;
	s25 =	sadd.s32 $0x4, s25;
	v28 =	vld.idx.msk [tilespmem:v18+s11+$0x0], $0xffff;
	v27 =	vor.u32 v26, v27;
	v25 =	vadd.s32 s23, v25;
	v8 =	vadd.f32 v19, v8;
	v19 =	vmovc v11  }
0x3b: {  	v26 =	vand.u32 $0xFFFFFF80, v15;
	v29 =	vadd.f32 v10, v9;
	s28 =	sadd.s32 $0xFFFFFE80, s26;
	s29 =	sadd.s32 $0xFFFFFF00, s26;
	s30 =	sadd.s32 $0xFFFFFF80, s26;
	v18 =	vor.u32 s26, v0;
	v9 =	vld.idx.msk [tilespmem:v21+s2+$0x0], $0xffff  }
0x3c: {  	s23 =	smov.u32 s18;
	v31 =	vand.u32 $0xFFFFFF80, v16;
	s18 =	smov.u32 s26;
	v33 =	vor.u32 s28, v0;
	v30 =	vor.u32 s29, v0;
	v11 =	vld.idx.msk [tilespmem:v22+s2+$0x0], $0xffff  }
.Ltmp0:
0x3d: {  	v21 =	vand.u32 $0x7F, v15;
	v22 =	vadd.s32 s19, v26;
	v19 =	vadd.f32 v19, v13;
	s19 =	smov.u32 s21;
	s21 =	smov.u32 s28;
	v15 =	vld.idx.msk [tilespmem:v14+s11+$0x0], $0xffff;
	v14 =	vmovc v33;
	(pc) =	sbr.rel @p0 .LBB2_2-.Ltmp0, $4  }
0x3e: {  	v32 =	vand.u32 $0x7F, v16;
	v21 =	vor.u32 v21, v22;
	v10 =	vmovc v12;
	v16 =	vld.idx.msk [tilespmem:v17+s11+$0x0], $0xffff;
	v17 =	vor.u32 s30, v0  }
0x3f: {  	v31 =	vadd.s32 s20, v31;
	s20 =	smov.u32 s22;
	s22 =	smov.u32 s30;
	v22 =	vor.u32 v24, v25;
	v19 =	vadd.f32 v19, v29;
	v13 =	vld.idx.msk [tilespmem:v23+s2+$0x0], $0xffff  }
0x40: {  	v26 =	vand.u32 $0x7F, v20;
	v23 =	vand.u32 $0xFFFFFF80, v20;
	v25 =	vand.u32 $0xFFFFFF80, v28;
	v12 =	vld.idx.msk [tilespmem:v27+s2+$0x0], $0xffff  }
0x41: {  	v24 =	vand.u32 $0x7F, v28;
	v27 =	vadd.s32 s24, v23;
	v23 =	vor.u32 v32, v31;
	s24 =	smov.u32 s29;
	v20 =	vld.idx.msk [tilespmem:v30+s11+$0x0], $0xffff  }
0x42: {  	_ =	sdelay $0x3  }
0x43: {  	v18 =	vld.idx.msk [tilespmem:v18+s11+$0x0], $0xffff  }
0x44: {  	v26 =	vor.u32 v26, v27;
	v27 =	vand.u32 $0xFFFFFF80, v15;
	v14 =	vld.idx.msk [tilespmem:v14+s11+$0x0], $0xffff;
	v25 =	vadd.s32 s23, v25  }
0x45: {  	v15 =	vand.u32 $0x7F, v15;
	v27 =	vadd.s32 s19, v27;
	v28 =	vand.u32 $0xFFFFFF80, v16  }
0x46: {  	v17 =	vld.idx.msk [tilespmem:v17+s11+$0x0], $0xffff;
	v16 =	vand.u32 $0x7F, v16;
	v15 =	vor.u32 v15, v27;
	v27 =	vadd.s32 s20, v28  }
0x47: {  	v24 =	vor.u32 v24, v25;
	v16 =	vor.u32 v16, v27  }
0x48: {  	v21 =	vld.idx.msk [tilespmem:v21+s2+$0x0], $0xffff;
	v25 =	vand.u32 $0xFFFFFF80, v20;
	v20 =	vand.u32 $0x7F, v20;
	v28 =	vand.u32 $0xFFFFFF80, v18  }
0x49: {  	v22 =	vld.idx.msk [tilespmem:v22+s2+$0x0], $0xffff;
	v25 =	vadd.s32 s24, v25;
	v18 =	vand.u32 $0x7F, v18;
	v27 =	vand.u32 $0xFFFFFF80, v14  }
0x4a: {  	v23 =	vld.idx.msk [tilespmem:v23+s2+$0x0], $0xffff;
	v14 =	vand.u32 $0x7F, v14;
	v20 =	vor.u32 v20, v25;
	v25 =	vadd.s32 s21, v27  }
0x4b: {  	v26 =	vld.idx.msk [tilespmem:v26+s2+$0x0], $0xffff;
	v27 =	vadd.s32 s18, v28;
	v28 =	vand.u32 $0xFFFFFF80, v17;
	v14 =	vor.u32 v14, v25  }
0x4c: {  	v17 =	vand.u32 $0x7F, v17;
	v24 =	vld.idx.msk [tilespmem:v24+s2+$0x0], $0xffff;
	v25 =	vadd.s32 s22, v28;
	v18 =	vor.u32 v18, v27  }
0x4d: {  	v15 =	vld.idx.msk [tilespmem:v15+s2+$0x0], $0xffff;
	v17 =	vor.u32 v17, v25  }
0x4e: {  	v9 =	vadd.f32 v10, v9;
	v10 =	vadd.f32 v11, v13;
	v11 =	vld.idx.msk [tilespmem:v16+s2+$0x0], $0xffff  }
0x4f: {  	v13 =	vld.idx.msk [tilespmem:v20+s2+$0x0], $0xffff  }
0x50: {  	v9 =	vadd.f32 v10, v9;
	v10 =	vld.idx.msk [tilespmem:v14+s2+$0x0], $0xffff  }
0x51: {  	v8 =	vadd.f32 v19, v8;
	v16 =	vld.idx.msk [tilespmem:v18+s2+$0x0], $0xffff  }
0x52: {  	v12 =	vadd.f32 v12, v21;
	v14 =	vadd.f32 v22, v23;
	v17 =	vld.idx.msk [tilespmem:v17+s2+$0x0], $0xffff  }
0x53: {  	v8 =	vadd.f32 v9, v8;
	v11 =	vadd.f32 v24, v11  }
0x54: {  	v9 =	vadd.f32 v14, v12;
	v12 =	vadd.f32 v26, v15;
	_ =	sdelay $0x1  }
0x55: {  	v8 =	vadd.f32 v9, v8;
	v9 =	vadd.f32 v11, v12  }
0x56: {  	v10 =	vadd.f32 v13, v10;
	v11 =	vadd.f32 v16, v17  }
0x57: {  	v12 =	vld [tilespmem:$0x6800]  }
0x58: {  	v8 =	vadd.f32 v9, v8;
	v9 =	vadd.f32 v11, v10;
	_ =	sdelay $0x1  }
0x59: {  	v8 =	vadd.f32 v9, v8;
	_ =	sdelay $0x1  }
0x5a: {  	v8 =	vadd.f32 v12, v8;
	_ =	sdelay $0x1  }
0x5b: {  	v8 =	vsub.f32 $0.0e+00, v8;
	_ =	sdelay $0x1  }
0x5c: {  	v8 =	vmul.f32 $1.442695020e+00, v8;
	_ =	sdelay $0x1  }
0x5d: {  	(erf) = vpow2.f32 v8;
	_ =	sdelay $0x8  }
0x5e: {  	v8 =	vpop (erf)  }
0x5f: {  	v8 =	vadd.f32 $1.000000000e+00, v8;
	_ =	sdelay $0x1  }
0x60: {  	(erf) = vrcp.f32 v8;
	_ =	sdelay $0x4  }
0x61: {  	s25 =	simm.s32 $0x80  }
0x62: {  	s23 =	simm.s32 $0x0;
	v8 =	vor.u32 s25, v1  }
0x63: {  	v11 =	vor.u32 s23, v1  }
0x64: {  	s28 =	simm.s32 $0x280  }
0x65: {  	s26 =	simm.s32 $0x180;
	v12 =	vor.u32 s28, v1;
	v10 =	vpop (erf)  }
0x66: {  	v9 =	vor.u32 s26, v1;
	[tilespmem:$0x6880] =	vst v10  }
0x67: {  	s24 =	simm.s32 $0x100;
	v8 =	vld.idx.msk [tilespmem:v8+s11+$0x0], $0xffff  }
0x68: {  	s29 =	simm.s32 $0x380;
	v10 =	vor.u32 s24, v1;
	v11 =	vld.idx.msk [tilespmem:v11+s11+$0x0], $0xffff  }
0x69: {  	s18 =	simm.s32 $0x300;
	v13 =	vor.u32 s29, v1  }
0x6a: {  	s30 =	simm.s32 $0x200;
	v16 =	vor.u32 s18, v1;
	v12 =	vld.idx.msk [tilespmem:v12+s11+$0x0], $0xffff  }
0x6b: {  	s31 =	simm.s32 $0x480;
	s21 =	simm.s32 $0x580;
	v14 =	vor.u32 s30, v1;
	v9 =	vld.idx.msk [tilespmem:v9+s11+$0x0], $0xffff  }
0x6c: {  	v19 =	vor.u32 s21, v1;
	v18 =	vor.u32 s31, v1;
	v15 =	vand.u32 $0xFFFFFF80, v8  }
0x6d: {  	v10 =	vld.idx.msk [tilespmem:v10+s11+$0x0], $0xffff;
	v8 =	vand.u32 $0x7F, v8;
	v17 =	vand.u32 $0xFFFFFF80, v11;
	v15 =	vadd.s32 s25, v15  }
0x6e: {  	s19 =	simm.s32 $0x600;
	v13 =	vld.idx.msk [tilespmem:v13+s11+$0x0], $0xffff;
	v11 =	vand.u32 $0x7F, v11;
	v17 =	vadd.s32 s23, v17;
	v15 =	vor.u32 v8, v15  }
0x6f: {  	v25 =	vor.u32 s19, v1;
	v16 =	vld.idx.msk [tilespmem:v16+s11+$0x0], $0xffff;
	v22 =	vand.u32 $0xFFFFFF80, v12;
	s25 =	simm.s32 $0x500;
	v11 =	vor.u32 v11, v17  }
0x70: {  	v14 =	vld.idx.msk [tilespmem:v14+s11+$0x0], $0xffff;
	v22 =	vadd.s32 s28, v22;
	s28 =	simm.s32 $0x680;
	v8 =	vand.u32 $0xFFFFFF80, v9;
	v21 =	vor.u32 s25, v1  }
0x71: {  	v18 =	vld.idx.msk [tilespmem:v18+s11+$0x0], $0xffff;
	v9 =	vand.u32 $0x7F, v9;
	v23 =	vor.u32 s28, v1;
	v20 =	vadd.s32 s26, v8  }
0x72: {  	v19 =	vld.idx.msk [tilespmem:v19+s11+$0x0], $0xffff;
	v12 =	vand.u32 $0x7F, v12;
	s26 =	simm.s32 $0x400;
	v9 =	vor.u32 v9, v20;
	v20 =	vand.u32 $0xFFFFFF80, v10  }
0x73: {  	v17 =	vor.u32 s26, v1;
	v10 =	vand.u32 $0x7F, v10;
	v20 =	vadd.s32 s24, v20;
	v15 =	vld.idx.msk [tilespmem:v15+s2+$0x0], $0xffff  }
0x74: {  	v26 =	vand.u32 $0xFFFFFF80, v16;
	v12 =	vor.u32 v12, v22;
	v10 =	vor.u32 v10, v20;
	v11 =	vld.idx.msk [tilespmem:v11+s2+$0x0], $0xffff  }
0x75: {  	v22 =	vand.u32 $0xFFFFFF80, v14;
	v14 =	vand.u32 $0x7F, v14;
	v20 =	vand.u32 $0xFFFFFF80, v13;
	v27 =	vld.idx.msk [tilespmem:v21+s11+$0x0], $0xffff  }
0x76: {  	v22 =	vadd.s32 s30, v22;
	v13 =	vand.u32 $0x7F, v13;
	v20 =	vadd.s32 s29, v20;
	v23 =	vld.idx.msk [tilespmem:v23+s11+$0x0], $0xffff  }
0x77: {  	v16 =	vand.u32 $0x7F, v16;
	s23 =	simm.s32 $0x780;
	v14 =	vor.u32 v14, v22;
	v13 =	vor.u32 v13, v20;
	v24 =	vld.idx.msk [tilespmem:v9+s2+$0x0], $0xffff  }
0x78: {  	v22 =	vadd.s32 s18, v26;
	v26 =	vand.u32 $0xFFFFFF80, v18;
	v9 =	vor.u32 s23, v1;
	v17 =	vld.idx.msk [tilespmem:v17+s11+$0x0], $0xffff  }
0x79: {  	s20 =	simm.s32 $0x700;
	v8 =	vimm.f32 $0.0e+00;
	v18 =	vand.u32 $0x7F, v18;
	v26 =	vadd.s32 s31, v26;
	v20 =	vld.idx.msk [tilespmem:v10+s2+$0x0], $0xffff  }
0x7a: {  	s18 =	simm.s32 $0x980;
	v28 =	vor.u32 v16, v22;
	v30 =	vor.u32 v18, v26;
	v21 =	vor.u32 s20, v1;
	v10 =	vld.idx.msk [tilespmem:v12+s2+$0x0], $0xffff  }
0x7b: {  	s24 =	simm.s32 $0x880;
	v18 =	vor.u32 s18, v1;
	v12 =	vand.u32 $0xFFFFFF80, v19;
	v26 =	vadd.f32 v15, v11;
	v15 =	vld.idx.msk [tilespmem:v25+s11+$0x0], $0xffff  }
0x7c: {  	v31 =	vor.u32 s24, v1;
	v19 =	vand.u32 $0x7F, v19;
	v12 =	vadd.s32 s21, v12;
	v11 =	vld.idx.msk [tilespmem:v13+s2+$0x0], $0xffff  }
0x7d: {  	v22 =	vand.u32 $0xFFFFFF80, v27;
	v32 =	vand.u32 $0x7F, v27;
	v29 =	vld.idx.msk [tilespmem:v9+s11+$0x0], $0xffff;
	v16 =	vand.u32 $0xFFFFFF80, v17  }
0x7e: {  	v33 =	vadd.s32 s25, v22;
	v9 =	vld.idx.msk [tilespmem:v14+s2+$0x0], $0xffff;
	v13 =	vand.u32 $0x7F, v17;
	v25 =	vadd.s32 s26, v16  }
0x7f: {  	s22 =	simm.s32 $0x900;
	s21 =	simm.s32 $0x800;
	v22 =	vor.u32 v19, v12;
	v16 =	vld.idx.msk [tilespmem:v21+s11+$0x0], $0xffff;
	v20 =	vadd.f32 v24, v20;
	v21 =	vor.u32 v13, v25  }
0x80: {  	v12 =	vld.idx.msk [tilespmem:v30+s2+$0x0], $0xffff;
	v14 =	vor.u32 s21, v1;
	v17 =	vor.u32 s22, v1;
	v24 =	vand.u32 $0xFFFFFF80, v23  }
0x81: {  	v13 =	vld.idx.msk [tilespmem:v28+s2+$0x0], $0xffff;
	v27 =	vadd.s32 s28, v24;
	v19 =	vadd.f32 v20, v26;
	v26 =	vand.u32 $0x7F, v23  }
0x82: {  	s25 =	simm.s32 $0x17;
	v20 =	vld.idx.msk [tilespmem:v31+s11+$0x0], $0xffff;
	v23 =	vor.u32 v32, v33;
	v25 =	vand.u32 $0xFFFFFF80, v29;
	v24 =	vand.u32 $0x7F, v29  }
.LBB2_4:
0x83: {  	s26 =	sshll.u32 s25, $0x7;
	p0 =	sne.s32 s25, $0x63;
	s25 =	sadd.s32 $0x4, s25;
	v28 =	vld.idx.msk [tilespmem:v18+s11+$0x0], $0xffff;
	v27 =	vor.u32 v26, v27;
	v25 =	vadd.s32 s23, v25;
	v8 =	vadd.f32 v19, v8;
	v19 =	vmovc v11  }
0x84: {  	v26 =	vand.u32 $0xFFFFFF80, v15;
	v29 =	vadd.f32 v10, v9;
	s28 =	sadd.s32 $0xFFFFFE80, s26;
	s29 =	sadd.s32 $0xFFFFFF00, s26;
	s30 =	sadd.s32 $0xFFFFFF80, s26;
	v18 =	vor.u32 s26, v1;
	v9 =	vld.idx.msk [tilespmem:v21+s2+$0x0], $0xffff  }
0x85: {  	s23 =	smov.u32 s18;
	v31 =	vand.u32 $0xFFFFFF80, v16;
	s18 =	smov.u32 s26;
	v33 =	vor.u32 s28, v1;
	v30 =	vor.u32 s29, v1;
	v11 =	vld.idx.msk [tilespmem:v22+s2+$0x0], $0xffff  }
.Ltmp1:
0x86: {  	v21 =	vand.u32 $0x7F, v15;
	v22 =	vadd.s32 s19, v26;
	v19 =	vadd.f32 v19, v13;
	s19 =	smov.u32 s21;
	s21 =	smov.u32 s28;
	v15 =	vld.idx.msk [tilespmem:v14+s11+$0x0], $0xffff;
	v14 =	vmovc v33;
	(pc) =	sbr.rel @p0 .LBB2_4-.Ltmp1, $4  }
0x87: {  	v32 =	vand.u32 $0x7F, v16;
	v21 =	vor.u32 v21, v22;
	v10 =	vmovc v12;
	v16 =	vld.idx.msk [tilespmem:v17+s11+$0x0], $0xffff;
	v17 =	vor.u32 s30, v1  }
0x88: {  	v31 =	vadd.s32 s20, v31;
	s20 =	smov.u32 s22;
	s22 =	smov.u32 s30;
	v22 =	vor.u32 v24, v25;
	v19 =	vadd.f32 v19, v29;
	v13 =	vld.idx.msk [tilespmem:v23+s2+$0x0], $0xffff  }
0x89: {  	v26 =	vand.u32 $0x7F, v20;
	v23 =	vand.u32 $0xFFFFFF80, v20;
	v25 =	vand.u32 $0xFFFFFF80, v28;
	v12 =	vld.idx.msk [tilespmem:v27+s2+$0x0], $0xffff  }
0x8a: {  	v24 =	vand.u32 $0x7F, v28;
	v27 =	vadd.s32 s24, v23;
	v23 =	vor.u32 v32, v31;
	s24 =	smov.u32 s29;
	v20 =	vld.idx.msk [tilespmem:v30+s11+$0x0], $0xffff  }
0x8b: {  	_ =	sdelay $0x3  }
0x8c: {  	v18 =	vld.idx.msk [tilespmem:v18+s11+$0x0], $0xffff  }
0x8d: {  	v26 =	vor.u32 v26, v27;
	v27 =	vand.u32 $0xFFFFFF80, v15;
	v14 =	vld.idx.msk [tilespmem:v14+s11+$0x0], $0xffff;
	v25 =	vadd.s32 s23, v25  }
0x8e: {  	v15 =	vand.u32 $0x7F, v15;
	v27 =	vadd.s32 s19, v27;
	v28 =	vand.u32 $0xFFFFFF80, v16  }
0x8f: {  	v17 =	vld.idx.msk [tilespmem:v17+s11+$0x0], $0xffff;
	v16 =	vand.u32 $0x7F, v16;
	v15 =	vor.u32 v15, v27;
	v27 =	vadd.s32 s20, v28  }
0x90: {  	v24 =	vor.u32 v24, v25;
	v16 =	vor.u32 v16, v27  }
0x91: {  	v21 =	vld.idx.msk [tilespmem:v21+s2+$0x0], $0xffff;
	v25 =	vand.u32 $0xFFFFFF80, v20;
	v20 =	vand.u32 $0x7F, v20;
	v28 =	vand.u32 $0xFFFFFF80, v18  }
0x92: {  	v22 =	vld.idx.msk [tilespmem:v22+s2+$0x0], $0xffff;
	v25 =	vadd.s32 s24, v25;
	v18 =	vand.u32 $0x7F, v18;
	v27 =	vand.u32 $0xFFFFFF80, v14  }
0x93: {  	v23 =	vld.idx.msk [tilespmem:v23+s2+$0x0], $0xffff;
	v14 =	vand.u32 $0x7F, v14;
	v20 =	vor.u32 v20, v25;
	v25 =	vadd.s32 s21, v27  }
0x94: {  	v26 =	vld.idx.msk [tilespmem:v26+s2+$0x0], $0xffff;
	v27 =	vadd.s32 s18, v28;
	v28 =	vand.u32 $0xFFFFFF80, v17;
	v14 =	vor.u32 v14, v25  }
0x95: {  	v17 =	vand.u32 $0x7F, v17;
	v24 =	vld.idx.msk [tilespmem:v24+s2+$0x0], $0xffff;
	v25 =	vadd.s32 s22, v28;
	v18 =	vor.u32 v18, v27  }
0x96: {  	v15 =	vld.idx.msk [tilespmem:v15+s2+$0x0], $0xffff;
	v17 =	vor.u32 v17, v25  }
0x97: {  	v9 =	vadd.f32 v10, v9;
	v10 =	vadd.f32 v11, v13;
	v11 =	vld.idx.msk [tilespmem:v16+s2+$0x0], $0xffff  }
0x98: {  	v13 =	vld.idx.msk [tilespmem:v20+s2+$0x0], $0xffff  }
0x99: {  	v9 =	vadd.f32 v10, v9;
	v10 =	vld.idx.msk [tilespmem:v14+s2+$0x0], $0xffff  }
0x9a: {  	v8 =	vadd.f32 v19, v8;
	v16 =	vld.idx.msk [tilespmem:v18+s2+$0x0], $0xffff  }
0x9b: {  	v12 =	vadd.f32 v12, v21;
	v14 =	vadd.f32 v22, v23;
	v17 =	vld.idx.msk [tilespmem:v17+s2+$0x0], $0xffff  }
0x9c: {  	v8 =	vadd.f32 v9, v8;
	v11 =	vadd.f32 v24, v11  }
0x9d: {  	v9 =	vadd.f32 v14, v12;
	v12 =	vadd.f32 v26, v15;
	_ =	sdelay $0x1  }
0x9e: {  	v8 =	vadd.f32 v9, v8;
	v9 =	vadd.f32 v11, v12  }
0x9f: {  	v10 =	vadd.f32 v13, v10;
	v11 =	vadd.f32 v16, v17  }
0xa0: {  	v12 =	vld [tilespmem:$0x6810]  }
0xa1: {  	v8 =	vadd.f32 v9, v8;
	v9 =	vadd.f32 v11, v10;
	_ =	sdelay $0x1  }
0xa2: {  	v8 =	vadd.f32 v9, v8;
	_ =	sdelay $0x1  }
0xa3: {  	v8 =	vadd.f32 v12, v8;
	_ =	sdelay $0x1  }
0xa4: {  	v8 =	vsub.f32 $0.0e+00, v8;
	_ =	sdelay $0x1  }
0xa5: {  	v8 =	vmul.f32 $1.442695020e+00, v8;
	_ =	sdelay $0x1  }
0xa6: {  	(erf) = vpow2.f32 v8;
	_ =	sdelay $0x8  }
0xa7: {  	v8 =	vpop (erf)  }
0xa8: {  	v8 =	vadd.f32 $1.000000000e+00, v8;
	_ =	sdelay $0x1  }
0xa9: {  	(erf) = vrcp.f32 v8;
	_ =	sdelay $0x4  }
0xaa: {  	s25 =	simm.s32 $0x80  }
0xab: {  	s23 =	simm.s32 $0x0;
	v8 =	vor.u32 s25, v2  }
0xac: {  	v11 =	vor.u32 s23, v2  }
0xad: {  	s28 =	simm.s32 $0x280  }
0xae: {  	s26 =	simm.s32 $0x180;
	v12 =	vor.u32 s28, v2;
	v10 =	vpop (erf)  }
0xaf: {  	v9 =	vor.u32 s26, v2;
	[tilespmem:$0x6890] =	vst v10  }
0xb0: {  	s24 =	simm.s32 $0x100;
	v8 =	vld.idx.msk [tilespmem:v8+s11+$0x0], $0xffff  }
0xb1: {  	s29 =	simm.s32 $0x380;
	v10 =	vor.u32 s24, v2;
	v11 =	vld.idx.msk [tilespmem:v11+s11+$0x0], $0xffff  }
0xb2: {  	s18 =	simm.s32 $0x300;
	v13 =	vor.u32 s29, v2  }
0xb3: {  	s30 =	simm.s32 $0x200;
	v16 =	vor.u32 s18, v2;
	v12 =	vld.idx.msk [tilespmem:v12+s11+$0x0], $0xffff  }
0xb4: {  	s31 =	simm.s32 $0x480;
	s21 =	simm.s32 $0x580;
	v14 =	vor.u32 s30, v2;
	v9 =	vld.idx.msk [tilespmem:v9+s11+$0x0], $0xffff  }
0xb5: {  	v19 =	vor.u32 s21, v2;
	v18 =	vor.u32 s31, v2;
	v15 =	vand.u32 $0xFFFFFF80, v8  }
0xb6: {  	v10 =	vld.idx.msk [tilespmem:v10+s11+$0x0], $0xffff;
	v8 =	vand.u32 $0x7F, v8;
	v17 =	vand.u32 $0xFFFFFF80, v11;
	v15 =	vadd.s32 s25, v15  }
0xb7: {  	s19 =	simm.s32 $0x600;
	v13 =	vld.idx.msk [tilespmem:v13+s11+$0x0], $0xffff;
	v11 =	vand.u32 $0x7F, v11;
	v17 =	vadd.s32 s23, v17;
	v15 =	vor.u32 v8, v15  }
0xb8: {  	v25 =	vor.u32 s19, v2;
	v16 =	vld.idx.msk [tilespmem:v16+s11+$0x0], $0xffff;
	v22 =	vand.u32 $0xFFFFFF80, v12;
	s25 =	simm.s32 $0x500;
	v11 =	vor.u32 v11, v17  }
0xb9: {  	v14 =	vld.idx.msk [tilespmem:v14+s11+$0x0], $0xffff;
	v22 =	vadd.s32 s28, v22;
	s28 =	simm.s32 $0x680;
	v8 =	vand.u32 $0xFFFFFF80, v9;
	v21 =	vor.u32 s25, v2  }
0xba: {  	v18 =	vld.idx.msk [tilespmem:v18+s11+$0x0], $0xffff;
	v9 =	vand.u32 $0x7F, v9;
	v23 =	vor.u32 s28, v2;
	v20 =	vadd.s32 s26, v8  }
0xbb: {  	v19 =	vld.idx.msk [tilespmem:v19+s11+$0x0], $0xffff;
	v12 =	vand.u32 $0x7F, v12;
	s26 =	simm.s32 $0x400;
	v9 =	vor.u32 v9, v20;
	v20 =	vand.u32 $0xFFFFFF80, v10  }
0xbc: {  	v17 =	vor.u32 s26, v2;
	v10 =	vand.u32 $0x7F, v10;
	v20 =	vadd.s32 s24, v20;
	v15 =	vld.idx.msk [tilespmem:v15+s2+$0x0], $0xffff  }
0xbd: {  	v26 =	vand.u32 $0xFFFFFF80, v16;
	v12 =	vor.u32 v12, v22;
	v10 =	vor.u32 v10, v20;
	v11 =	vld.idx.msk [tilespmem:v11+s2+$0x0], $0xffff  }
0xbe: {  	v22 =	vand.u32 $0xFFFFFF80, v14;
	v14 =	vand.u32 $0x7F, v14;
	v20 =	vand.u32 $0xFFFFFF80, v13;
	v27 =	vld.idx.msk [tilespmem:v21+s11+$0x0], $0xffff  }
0xbf: {  	v22 =	vadd.s32 s30, v22;
	v13 =	vand.u32 $0x7F, v13;
	v20 =	vadd.s32 s29, v20;
	v23 =	vld.idx.msk [tilespmem:v23+s11+$0x0], $0xffff  }
0xc0: {  	v16 =	vand.u32 $0x7F, v16;
	s23 =	simm.s32 $0x780;
	v14 =	vor.u32 v14, v22;
	v13 =	vor.u32 v13, v20;
	v24 =	vld.idx.msk [tilespmem:v9+s2+$0x0], $0xffff  }
0xc1: {  	v22 =	vadd.s32 s18, v26;
	v26 =	vand.u32 $0xFFFFFF80, v18;
	v9 =	vor.u32 s23, v2;
	v17 =	vld.idx.msk [tilespmem:v17+s11+$0x0], $0xffff  }
0xc2: {  	s20 =	simm.s32 $0x700;
	v8 =	vimm.f32 $0.0e+00;
	v18 =	vand.u32 $0x7F, v18;
	v26 =	vadd.s32 s31, v26;
	v20 =	vld.idx.msk [tilespmem:v10+s2+$0x0], $0xffff  }
0xc3: {  	s18 =	simm.s32 $0x980;
	v28 =	vor.u32 v16, v22;
	v30 =	vor.u32 v18, v26;
	v21 =	vor.u32 s20, v2;
	v10 =	vld.idx.msk [tilespmem:v12+s2+$0x0], $0xffff  }
0xc4: {  	s24 =	simm.s32 $0x880;
	v18 =	vor.u32 s18, v2;
	v12 =	vand.u32 $0xFFFFFF80, v19;
	v26 =	vadd.f32 v15, v11;
	v15 =	vld.idx.msk [tilespmem:v25+s11+$0x0], $0xffff  }
0xc5: {  	v31 =	vor.u32 s24, v2;
	v19 =	vand.u32 $0x7F, v19;
	v12 =	vadd.s32 s21, v12;
	v11 =	vld.idx.msk [tilespmem:v13+s2+$0x0], $0xffff  }
0xc6: {  	v22 =	vand.u32 $0xFFFFFF80, v27;
	v32 =	vand.u32 $0x7F, v27;
	v29 =	vld.idx.msk [tilespmem:v9+s11+$0x0], $0xffff;
	v16 =	vand.u32 $0xFFFFFF80, v17  }
0xc7: {  	v33 =	vadd.s32 s25, v22;
	v9 =	vld.idx.msk [tilespmem:v14+s2+$0x0], $0xffff;
	v13 =	vand.u32 $0x7F, v17;
	v25 =	vadd.s32 s26, v16  }
0xc8: {  	s22 =	simm.s32 $0x900;
	s21 =	simm.s32 $0x800;
	v22 =	vor.u32 v19, v12;
	v16 =	vld.idx.msk [tilespmem:v21+s11+$0x0], $0xffff;
	v20 =	vadd.f32 v24, v20;
	v21 =	vor.u32 v13, v25  }
0xc9: {  	v12 =	vld.idx.msk [tilespmem:v30+s2+$0x0], $0xffff;
	v14 =	vor.u32 s21, v2;
	v17 =	vor.u32 s22, v2;
	v24 =	vand.u32 $0xFFFFFF80, v23  }
0xca: {  	v13 =	vld.idx.msk [tilespmem:v28+s2+$0x0], $0xffff;
	v27 =	vadd.s32 s28, v24;
	v19 =	vadd.f32 v20, v26;
	v26 =	vand.u32 $0x7F, v23  }
0xcb: {  	s25 =	simm.s32 $0x17;
	v20 =	vld.idx.msk [tilespmem:v31+s11+$0x0], $0xffff;
	v23 =	vor.u32 v32, v33;
	v25 =	vand.u32 $0xFFFFFF80, v29;
	v24 =	vand.u32 $0x7F, v29  }
.LBB2_6:
0xcc: {  	s26 =	sshll.u32 s25, $0x7;
	p0 =	sne.s32 s25, $0x63;
	s25 =	sadd.s32 $0x4, s25;
	v28 =	vld.idx.msk [tilespmem:v18+s11+$0x0], $0xffff;
	v27 =	vor.u32 v26, v27;
	v25 =	vadd.s32 s23, v25;
	v8 =	vadd.f32 v19, v8;
	v19 =	vmovc v11  }
0xcd: {  	v26 =	vand.u32 $0xFFFFFF80, v15;
	v29 =	vadd.f32 v10, v9;
	s28 =	sadd.s32 $0xFFFFFE80, s26;
	s29 =	sadd.s32 $0xFFFFFF00, s26;
	s30 =	sadd.s32 $0xFFFFFF80, s26;
	v18 =	vor.u32 s26, v2;
	v9 =	vld.idx.msk [tilespmem:v21+s2+$0x0], $0xffff  }
0xce: {  	s23 =	smov.u32 s18;
	v31 =	vand.u32 $0xFFFFFF80, v16;
	s18 =	smov.u32 s26;
	v33 =	vor.u32 s28, v2;
	v30 =	vor.u32 s29, v2;
	v11 =	vld.idx.msk [tilespmem:v22+s2+$0x0], $0xffff  }
.Ltmp2:
0xcf: {  	v21 =	vand.u32 $0x7F, v15;
	v22 =	vadd.s32 s19, v26;
	v19 =	vadd.f32 v19, v13;
	s19 =	smov.u32 s21;
	s21 =	smov.u32 s28;
	v15 =	vld.idx.msk [tilespmem:v14+s11+$0x0], $0xffff;
	v14 =	vmovc v33;
	(pc) =	sbr.rel @p0 .LBB2_6-.Ltmp2, $4  }
0xd0: {  	v32 =	vand.u32 $0x7F, v16;
	v21 =	vor.u32 v21, v22;
	v10 =	vmovc v12;
	v16 =	vld.idx.msk [tilespmem:v17+s11+$0x0], $0xffff;
	v17 =	vor.u32 s30, v2  }
0xd1: {  	v31 =	vadd.s32 s20, v31;
	s20 =	smov.u32 s22;
	s22 =	smov.u32 s30;
	v22 =	vor.u32 v24, v25;
	v19 =	vadd.f32 v19, v29;
	v13 =	vld.idx.msk [tilespmem:v23+s2+$0x0], $0xffff  }
0xd2: {  	v26 =	vand.u32 $0x7F, v20;
	v23 =	vand.u32 $0xFFFFFF80, v20;
	v25 =	vand.u32 $0xFFFFFF80, v28;
	v12 =	vld.idx.msk [tilespmem:v27+s2+$0x0], $0xffff  }
0xd3: {  	v24 =	vand.u32 $0x7F, v28;
	v27 =	vadd.s32 s24, v23;
	v23 =	vor.u32 v32, v31;
	s24 =	smov.u32 s29;
	v20 =	vld.idx.msk [tilespmem:v30+s11+$0x0], $0xffff  }
0xd4: {  	_ =	sdelay $0x3  }
0xd5: {  	v18 =	vld.idx.msk [tilespmem:v18+s11+$0x0], $0xffff  }
0xd6: {  	v26 =	vor.u32 v26, v27;
	v27 =	vand.u32 $0xFFFFFF80, v15;
	v14 =	vld.idx.msk [tilespmem:v14+s11+$0x0], $0xffff;
	v25 =	vadd.s32 s23, v25  }
0xd7: {  	v15 =	vand.u32 $0x7F, v15;
	v27 =	vadd.s32 s19, v27;
	v28 =	vand.u32 $0xFFFFFF80, v16  }
0xd8: {  	v17 =	vld.idx.msk [tilespmem:v17+s11+$0x0], $0xffff;
	v16 =	vand.u32 $0x7F, v16;
	v15 =	vor.u32 v15, v27;
	v27 =	vadd.s32 s20, v28  }
0xd9: {  	v24 =	vor.u32 v24, v25;
	v16 =	vor.u32 v16, v27  }
0xda: {  	v21 =	vld.idx.msk [tilespmem:v21+s2+$0x0], $0xffff;
	v25 =	vand.u32 $0xFFFFFF80, v20;
	v20 =	vand.u32 $0x7F, v20;
	v28 =	vand.u32 $0xFFFFFF80, v18  }
0xdb: {  	v22 =	vld.idx.msk [tilespmem:v22+s2+$0x0], $0xffff;
	v25 =	vadd.s32 s24, v25;
	v18 =	vand.u32 $0x7F, v18;
	v27 =	vand.u32 $0xFFFFFF80, v14  }
0xdc: {  	v23 =	vld.idx.msk [tilespmem:v23+s2+$0x0], $0xffff;
	v14 =	vand.u32 $0x7F, v14;
	v20 =	vor.u32 v20, v25;
	v25 =	vadd.s32 s21, v27  }
0xdd: {  	v26 =	vld.idx.msk [tilespmem:v26+s2+$0x0], $0xffff;
	v27 =	vadd.s32 s18, v28;
	v28 =	vand.u32 $0xFFFFFF80, v17;
	v14 =	vor.u32 v14, v25  }
0xde: {  	v17 =	vand.u32 $0x7F, v17;
	v24 =	vld.idx.msk [tilespmem:v24+s2+$0x0], $0xffff;
	v25 =	vadd.s32 s22, v28;
	v18 =	vor.u32 v18, v27  }
0xdf: {  	v15 =	vld.idx.msk [tilespmem:v15+s2+$0x0], $0xffff;
	v17 =	vor.u32 v17, v25  }
0xe0: {  	v9 =	vadd.f32 v10, v9;
	v10 =	vadd.f32 v11, v13;
	v11 =	vld.idx.msk [tilespmem:v16+s2+$0x0], $0xffff  }
0xe1: {  	v13 =	vld.idx.msk [tilespmem:v20+s2+$0x0], $0xffff  }
0xe2: {  	v9 =	vadd.f32 v10, v9;
	v10 =	vld.idx.msk [tilespmem:v14+s2+$0x0], $0xffff  }
0xe3: {  	v8 =	vadd.f32 v19, v8;
	v16 =	vld.idx.msk [tilespmem:v18+s2+$0x0], $0xffff  }
0xe4: {  	v12 =	vadd.f32 v12, v21;
	v14 =	vadd.f32 v22, v23;
	v17 =	vld.idx.msk [tilespmem:v17+s2+$0x0], $0xffff  }
0xe5: {  	v8 =	vadd.f32 v9, v8;
	v11 =	vadd.f32 v24, v11  }
0xe6: {  	v9 =	vadd.f32 v14, v12;
	v12 =	vadd.f32 v26, v15;
	_ =	sdelay $0x1  }
0xe7: {  	v8 =	vadd.f32 v9, v8;
	v9 =	vadd.f32 v11, v12  }
0xe8: {  	v10 =	vadd.f32 v13, v10;
	v11 =	vadd.f32 v16, v17  }
0xe9: {  	v12 =	vld [tilespmem:$0x6820]  }
0xea: {  	v8 =	vadd.f32 v9, v8;
	v9 =	vadd.f32 v11, v10;
	_ =	sdelay $0x1  }
0xeb: {  	v8 =	vadd.f32 v9, v8;
	_ =	sdelay $0x1  }
0xec: {  	v8 =	vadd.f32 v12, v8;
	_ =	sdelay $0x1  }
0xed: {  	v8 =	vsub.f32 $0.0e+00, v8;
	_ =	sdelay $0x1  }
0xee: {  	v8 =	vmul.f32 $1.442695020e+00, v8;
	_ =	sdelay $0x1  }
0xef: {  	(erf) = vpow2.f32 v8;
	_ =	sdelay $0x8  }
0xf0: {  	v8 =	vpop (erf)  }
0xf1: {  	v8 =	vadd.f32 $1.000000000e+00, v8;
	_ =	sdelay $0x1  }
0xf2: {  	(erf) = vrcp.f32 v8;
	_ =	sdelay $0x4  }
0xf3: {  	s25 =	simm.s32 $0x80  }
0xf4: {  	s23 =	simm.s32 $0x0;
	v8 =	vor.u32 s25, v3  }
0xf5: {  	v11 =	vor.u32 s23, v3  }
0xf6: {  	s28 =	simm.s32 $0x280  }
0xf7: {  	s26 =	simm.s32 $0x180;
	v12 =	vor.u32 s28, v3;
	v10 =	vpop (erf)  }
0xf8: {  	v9 =	vor.u32 s26, v3;
	[tilespmem:$0x68A0] =	vst v10  }
0xf9: {  	s24 =	simm.s32 $0x100;
	v8 =	vld.idx.msk [tilespmem:v8+s11+$0x0], $0xffff  }
0xfa: {  	s29 =	simm.s32 $0x380;
	v10 =	vor.u32 s24, v3;
	v11 =	vld.idx.msk [tilespmem:v11+s11+$0x0], $0xffff  }
0xfb: {  	s18 =	simm.s32 $0x300;
	v13 =	vor.u32 s29, v3  }
0xfc: {  	s30 =	simm.s32 $0x200;
	v16 =	vor.u32 s18, v3;
	v12 =	vld.idx.msk [tilespmem:v12+s11+$0x0], $0xffff  }
0xfd: {  	s31 =	simm.s32 $0x480;
	s21 =	simm.s32 $0x580;
	v14 =	vor.u32 s30, v3;
	v9 =	vld.idx.msk [tilespmem:v9+s11+$0x0], $0xffff  }
0xfe: {  	v19 =	vor.u32 s21, v3;
	v18 =	vor.u32 s31, v3;
	v15 =	vand.u32 $0xFFFFFF80, v8  }
0xff: {  	v10 =	vld.idx.msk [tilespmem:v10+s11+$0x0], $0xffff;
	v8 =	vand.u32 $0x7F, v8;
	v17 =	vand.u32 $0xFFFFFF80, v11;
	v15 =	vadd.s32 s25, v15  }
0x100: {  	s19 =	simm.s32 $0x600;
	v13 =	vld.idx.msk [tilespmem:v13+s11+$0x0], $0xffff;
	v11 =	vand.u32 $0x7F, v11;
	v17 =	vadd.s32 s23, v17;
	v15 =	vor.u32 v8, v15  }
0x101: {  	v25 =	vor.u32 s19, v3;
	v16 =	vld.idx.msk [tilespmem:v16+s11+$0x0], $0xffff;
	v22 =	vand.u32 $0xFFFFFF80, v12;
	s25 =	simm.s32 $0x500;
	v11 =	vor.u32 v11, v17  }
0x102: {  	v14 =	vld.idx.msk [tilespmem:v14+s11+$0x0], $0xffff;
	v22 =	vadd.s32 s28, v22;
	s28 =	simm.s32 $0x680;
	v8 =	vand.u32 $0xFFFFFF80, v9;
	v21 =	vor.u32 s25, v3  }
0x103: {  	v18 =	vld.idx.msk [tilespmem:v18+s11+$0x0], $0xffff;
	v9 =	vand.u32 $0x7F, v9;
	v23 =	vor.u32 s28, v3;
	v20 =	vadd.s32 s26, v8  }
0x104: {  	v19 =	vld.idx.msk [tilespmem:v19+s11+$0x0], $0xffff;
	v12 =	vand.u32 $0x7F, v12;
	s26 =	simm.s32 $0x400;
	v9 =	vor.u32 v9, v20;
	v20 =	vand.u32 $0xFFFFFF80, v10  }
0x105: {  	v17 =	vor.u32 s26, v3;
	v10 =	vand.u32 $0x7F, v10;
	v20 =	vadd.s32 s24, v20;
	v15 =	vld.idx.msk [tilespmem:v15+s2+$0x0], $0xffff  }
0x106: {  	v26 =	vand.u32 $0xFFFFFF80, v16;
	v12 =	vor.u32 v12, v22;
	v10 =	vor.u32 v10, v20;
	v11 =	vld.idx.msk [tilespmem:v11+s2+$0x0], $0xffff  }
0x107: {  	v22 =	vand.u32 $0xFFFFFF80, v14;
	v14 =	vand.u32 $0x7F, v14;
	v20 =	vand.u32 $0xFFFFFF80, v13;
	v27 =	vld.idx.msk [tilespmem:v21+s11+$0x0], $0xffff  }
0x108: {  	v22 =	vadd.s32 s30, v22;
	v13 =	vand.u32 $0x7F, v13;
	v20 =	vadd.s32 s29, v20;
	v23 =	vld.idx.msk [tilespmem:v23+s11+$0x0], $0xffff  }
0x109: {  	v16 =	vand.u32 $0x7F, v16;
	s23 =	simm.s32 $0x780;
	v14 =	vor.u32 v14, v22;
	v13 =	vor.u32 v13, v20;
	v24 =	vld.idx.msk [tilespmem:v9+s2+$0x0], $0xffff  }
0x10a: {  	v22 =	vadd.s32 s18, v26;
	v26 =	vand.u32 $0xFFFFFF80, v18;
	v9 =	vor.u32 s23, v3;
	v17 =	vld.idx.msk [tilespmem:v17+s11+$0x0], $0xffff  }
0x10b: {  	s20 =	simm.s32 $0x700;
	v8 =	vimm.f32 $0.0e+00;
	v18 =	vand.u32 $0x7F, v18;
	v26 =	vadd.s32 s31, v26;
	v20 =	vld.idx.msk [tilespmem:v10+s2+$0x0], $0xffff  }
0x10c: {  	s18 =	simm.s32 $0x980;
	v28 =	vor.u32 v16, v22;
	v30 =	vor.u32 v18, v26;
	v21 =	vor.u32 s20, v3;
	v10 =	vld.idx.msk [tilespmem:v12+s2+$0x0], $0xffff  }
0x10d: {  	s24 =	simm.s32 $0x880;
	v18 =	vor.u32 s18, v3;
	v12 =	vand.u32 $0xFFFFFF80, v19;
	v26 =	vadd.f32 v15, v11;
	v15 =	vld.idx.msk [tilespmem:v25+s11+$0x0], $0xffff  }
0x10e: {  	v31 =	vor.u32 s24, v3;
	v19 =	vand.u32 $0x7F, v19;
	v12 =	vadd.s32 s21, v12;
	v11 =	vld.idx.msk [tilespmem:v13+s2+$0x0], $0xffff  }
0x10f: {  	v22 =	vand.u32 $0xFFFFFF80, v27;
	v32 =	vand.u32 $0x7F, v27;
	v29 =	vld.idx.msk [tilespmem:v9+s11+$0x0], $0xffff;
	v16 =	vand.u32 $0xFFFFFF80, v17  }
0x110: {  	v33 =	vadd.s32 s25, v22;
	v9 =	vld.idx.msk [tilespmem:v14+s2+$0x0], $0xffff;
	v13 =	vand.u32 $0x7F, v17;
	v25 =	vadd.s32 s26, v16  }
0x111: {  	s22 =	simm.s32 $0x900;
	s21 =	simm.s32 $0x800;
	v22 =	vor.u32 v19, v12;
	v16 =	vld.idx.msk [tilespmem:v21+s11+$0x0], $0xffff;
	v20 =	vadd.f32 v24, v20;
	v21 =	vor.u32 v13, v25  }
0x112: {  	v12 =	vld.idx.msk [tilespmem:v30+s2+$0x0], $0xffff;
	v14 =	vor.u32 s21, v3;
	v17 =	vor.u32 s22, v3;
	v24 =	vand.u32 $0xFFFFFF80, v23  }
0x113: {  	v13 =	vld.idx.msk [tilespmem:v28+s2+$0x0], $0xffff;
	v27 =	vadd.s32 s28, v24;
	v19 =	vadd.f32 v20, v26;
	v26 =	vand.u32 $0x7F, v23  }
0x114: {  	s25 =	simm.s32 $0x17;
	v20 =	vld.idx.msk [tilespmem:v31+s11+$0x0], $0xffff;
	v23 =	vor.u32 v32, v33;
	v25 =	vand.u32 $0xFFFFFF80, v29;
	v24 =	vand.u32 $0x7F, v29  }
.LBB2_8:
0x115: {  	s26 =	sshll.u32 s25, $0x7;
	p0 =	sne.s32 s25, $0x63;
	s25 =	sadd.s32 $0x4, s25;
	v28 =	vld.idx.msk [tilespmem:v18+s11+$0x0], $0xffff;
	v27 =	vor.u32 v26, v27;
	v25 =	vadd.s32 s23, v25;
	v8 =	vadd.f32 v19, v8;
	v19 =	vmovc v11  }
0x116: {  	v26 =	vand.u32 $0xFFFFFF80, v15;
	v29 =	vadd.f32 v10, v9;
	s28 =	sadd.s32 $0xFFFFFE80, s26;
	s29 =	sadd.s32 $0xFFFFFF00, s26;
	s30 =	sadd.s32 $0xFFFFFF80, s26;
	v18 =	vor.u32 s26, v3;
	v9 =	vld.idx.msk [tilespmem:v21+s2+$0x0], $0xffff  }
0x117: {  	s23 =	smov.u32 s18;
	v31 =	vand.u32 $0xFFFFFF80, v16;
	s18 =	smov.u32 s26;
	v33 =	vor.u32 s28, v3;
	v30 =	vor.u32 s29, v3;
	v11 =	vld.idx.msk [tilespmem:v22+s2+$0x0], $0xffff  }
.Ltmp3:
0x118: {  	v21 =	vand.u32 $0x7F, v15;
	v22 =	vadd.s32 s19, v26;
	v19 =	vadd.f32 v19, v13;
	s19 =	smov.u32 s21;
	s21 =	smov.u32 s28;
	v15 =	vld.idx.msk [tilespmem:v14+s11+$0x0], $0xffff;
	v14 =	vmovc v33;
	(pc) =	sbr.rel @p0 .LBB2_8-.Ltmp3, $4  }
0x119: {  	v32 =	vand.u32 $0x7F, v16;
	v21 =	vor.u32 v21, v22;
	v10 =	vmovc v12;
	v16 =	vld.idx.msk [tilespmem:v17+s11+$0x0], $0xffff;
	v17 =	vor.u32 s30, v3  }
0x11a: {  	v31 =	vadd.s32 s20, v31;
	s20 =	smov.u32 s22;
	s22 =	smov.u32 s30;
	v22 =	vor.u32 v24, v25;
	v19 =	vadd.f32 v19, v29;
	v13 =	vld.idx.msk [tilespmem:v23+s2+$0x0], $0xffff  }
0x11b: {  	v26 =	vand.u32 $0x7F, v20;
	v23 =	vand.u32 $0xFFFFFF80, v20;
	v25 =	vand.u32 $0xFFFFFF80, v28;
	v12 =	vld.idx.msk [tilespmem:v27+s2+$0x0], $0xffff  }
0x11c: {  	v24 =	vand.u32 $0x7F, v28;
	v27 =	vadd.s32 s24, v23;
	v23 =	vor.u32 v32, v31;
	s24 =	smov.u32 s29;
	v20 =	vld.idx.msk [tilespmem:v30+s11+$0x0], $0xffff  }
0x11d: {  	_ =	sdelay $0x3  }
0x11e: {  	v18 =	vld.idx.msk [tilespmem:v18+s11+$0x0], $0xffff  }
0x11f: {  	v26 =	vor.u32 v26, v27;
	v27 =	vand.u32 $0xFFFFFF80, v15;
	v14 =	vld.idx.msk [tilespmem:v14+s11+$0x0], $0xffff;
	v25 =	vadd.s32 s23, v25  }
0x120: {  	v15 =	vand.u32 $0x7F, v15;
	v27 =	vadd.s32 s19, v27;
	v28 =	vand.u32 $0xFFFFFF80, v16  }
0x121: {  	v17 =	vld.idx.msk [tilespmem:v17+s11+$0x0], $0xffff;
	v16 =	vand.u32 $0x7F, v16;
	v15 =	vor.u32 v15, v27;
	v27 =	vadd.s32 s20, v28  }
0x122: {  	v24 =	vor.u32 v24, v25;
	v16 =	vor.u32 v16, v27  }
0x123: {  	v21 =	vld.idx.msk [tilespmem:v21+s2+$0x0], $0xffff;
	v25 =	vand.u32 $0xFFFFFF80, v20;
	v20 =	vand.u32 $0x7F, v20;
	v28 =	vand.u32 $0xFFFFFF80, v18  }
0x124: {  	v22 =	vld.idx.msk [tilespmem:v22+s2+$0x0], $0xffff;
	v25 =	vadd.s32 s24, v25;
	v18 =	vand.u32 $0x7F, v18;
	v27 =	vand.u32 $0xFFFFFF80, v14  }
0x125: {  	v23 =	vld.idx.msk [tilespmem:v23+s2+$0x0], $0xffff;
	v14 =	vand.u32 $0x7F, v14;
	v20 =	vor.u32 v20, v25;
	v25 =	vadd.s32 s21, v27  }
0x126: {  	v26 =	vld.idx.msk [tilespmem:v26+s2+$0x0], $0xffff;
	v27 =	vadd.s32 s18, v28;
	v28 =	vand.u32 $0xFFFFFF80, v17;
	v14 =	vor.u32 v14, v25  }
0x127: {  	v17 =	vand.u32 $0x7F, v17;
	v24 =	vld.idx.msk [tilespmem:v24+s2+$0x0], $0xffff;
	v25 =	vadd.s32 s22, v28;
	v18 =	vor.u32 v18, v27  }
0x128: {  	v15 =	vld.idx.msk [tilespmem:v15+s2+$0x0], $0xffff;
	v17 =	vor.u32 v17, v25  }
0x129: {  	v9 =	vadd.f32 v10, v9;
	v10 =	vadd.f32 v11, v13;
	v11 =	vld.idx.msk [tilespmem:v16+s2+$0x0], $0xffff  }
0x12a: {  	v13 =	vld.idx.msk [tilespmem:v20+s2+$0x0], $0xffff  }
0x12b: {  	v9 =	vadd.f32 v10, v9;
	v10 =	vld.idx.msk [tilespmem:v14+s2+$0x0], $0xffff  }
0x12c: {  	v8 =	vadd.f32 v19, v8;
	v16 =	vld.idx.msk [tilespmem:v18+s2+$0x0], $0xffff  }
0x12d: {  	v12 =	vadd.f32 v12, v21;
	v14 =	vadd.f32 v22, v23;
	v17 =	vld.idx.msk [tilespmem:v17+s2+$0x0], $0xffff  }
0x12e: {  	v8 =	vadd.f32 v9, v8;
	v11 =	vadd.f32 v24, v11  }
0x12f: {  	v9 =	vadd.f32 v14, v12;
	v12 =	vadd.f32 v26, v15;
	_ =	sdelay $0x1  }
0x130: {  	v8 =	vadd.f32 v9, v8;
	v9 =	vadd.f32 v11, v12  }
0x131: {  	v10 =	vadd.f32 v13, v10;
	v11 =	vadd.f32 v16, v17  }
0x132: {  	v12 =	vld [tilespmem:$0x6830]  }
0x133: {  	v8 =	vadd.f32 v9, v8;
	v9 =	vadd.f32 v11, v10;
	_ =	sdelay $0x1  }
0x134: {  	v8 =	vadd.f32 v9, v8;
	_ =	sdelay $0x1  }
0x135: {  	v8 =	vadd.f32 v12, v8;
	_ =	sdelay $0x1  }
0x136: {  	v8 =	vsub.f32 $0.0e+00, v8;
	_ =	sdelay $0x1  }
0x137: {  	v8 =	vmul.f32 $1.442695020e+00, v8;
	_ =	sdelay $0x1  }
0x138: {  	(erf) = vpow2.f32 v8;
	_ =	sdelay $0x8  }
0x139: {  	v8 =	vpop (erf)  }
0x13a: {  	v8 =	vadd.f32 $1.000000000e+00, v8;
	_ =	sdelay $0x1  }
0x13b: {  	(erf) = vrcp.f32 v8;
	_ =	sdelay $0x4  }
0x13c: {  	s25 =	simm.s32 $0x80  }
0x13d: {  	s23 =	simm.s32 $0x0;
	v8 =	vor.u32 s25, v4  }
0x13e: {  	v11 =	vor.u32 s23, v4  }
0x13f: {  	s28 =	simm.s32 $0x280  }
0x140: {  	s26 =	simm.s32 $0x180;
	v12 =	vor.u32 s28, v4;
	v10 =	vpop (erf)  }
0x141: {  	v9 =	vor.u32 s26, v4;
	[tilespmem:$0x68B0] =	vst v10  }
0x142: {  	s24 =	simm.s32 $0x100;
	v8 =	vld.idx.msk [tilespmem:v8+s11+$0x0], $0xffff  }
0x143: {  	s29 =	simm.s32 $0x380;
	v10 =	vor.u32 s24, v4;
	v11 =	vld.idx.msk [tilespmem:v11+s11+$0x0], $0xffff  }
0x144: {  	s18 =	simm.s32 $0x300;
	v13 =	vor.u32 s29, v4  }
0x145: {  	s30 =	simm.s32 $0x200;
	v16 =	vor.u32 s18, v4;
	v12 =	vld.idx.msk [tilespmem:v12+s11+$0x0], $0xffff  }
0x146: {  	s31 =	simm.s32 $0x480;
	s21 =	simm.s32 $0x580;
	v14 =	vor.u32 s30, v4;
	v9 =	vld.idx.msk [tilespmem:v9+s11+$0x0], $0xffff  }
0x147: {  	v19 =	vor.u32 s21, v4;
	v18 =	vor.u32 s31, v4;
	v15 =	vand.u32 $0xFFFFFF80, v8  }
0x148: {  	v10 =	vld.idx.msk [tilespmem:v10+s11+$0x0], $0xffff;
	v8 =	vand.u32 $0x7F, v8;
	v17 =	vand.u32 $0xFFFFFF80, v11;
	v15 =	vadd.s32 s25, v15  }
0x149: {  	s19 =	simm.s32 $0x600;
	v13 =	vld.idx.msk [tilespmem:v13+s11+$0x0], $0xffff;
	v11 =	vand.u32 $0x7F, v11;
	v17 =	vadd.s32 s23, v17;
	v15 =	vor.u32 v8, v15  }
0x14a: {  	v25 =	vor.u32 s19, v4;
	v16 =	vld.idx.msk [tilespmem:v16+s11+$0x0], $0xffff;
	v22 =	vand.u32 $0xFFFFFF80, v12;
	s25 =	simm.s32 $0x500;
	v11 =	vor.u32 v11, v17  }
0x14b: {  	v14 =	vld.idx.msk [tilespmem:v14+s11+$0x0], $0xffff;
	v22 =	vadd.s32 s28, v22;
	s28 =	simm.s32 $0x680;
	v8 =	vand.u32 $0xFFFFFF80, v9;
	v21 =	vor.u32 s25, v4  }
0x14c: {  	v18 =	vld.idx.msk [tilespmem:v18+s11+$0x0], $0xffff;
	v9 =	vand.u32 $0x7F, v9;
	v23 =	vor.u32 s28, v4;
	v20 =	vadd.s32 s26, v8  }
0x14d: {  	v19 =	vld.idx.msk [tilespmem:v19+s11+$0x0], $0xffff;
	v12 =	vand.u32 $0x7F, v12;
	s26 =	simm.s32 $0x400;
	v9 =	vor.u32 v9, v20;
	v20 =	vand.u32 $0xFFFFFF80, v10  }
0x14e: {  	v17 =	vor.u32 s26, v4;
	v10 =	vand.u32 $0x7F, v10;
	v20 =	vadd.s32 s24, v20;
	v15 =	vld.idx.msk [tilespmem:v15+s2+$0x0], $0xffff  }
0x14f: {  	v26 =	vand.u32 $0xFFFFFF80, v16;
	v12 =	vor.u32 v12, v22;
	v10 =	vor.u32 v10, v20;
	v11 =	vld.idx.msk [tilespmem:v11+s2+$0x0], $0xffff  }
0x150: {  	v22 =	vand.u32 $0xFFFFFF80, v14;
	v14 =	vand.u32 $0x7F, v14;
	v20 =	vand.u32 $0xFFFFFF80, v13;
	v27 =	vld.idx.msk [tilespmem:v21+s11+$0x0], $0xffff  }
0x151: {  	v22 =	vadd.s32 s30, v22;
	v13 =	vand.u32 $0x7F, v13;
	v20 =	vadd.s32 s29, v20;
	v23 =	vld.idx.msk [tilespmem:v23+s11+$0x0], $0xffff  }
0x152: {  	v16 =	vand.u32 $0x7F, v16;
	s23 =	simm.s32 $0x780;
	v14 =	vor.u32 v14, v22;
	v13 =	vor.u32 v13, v20;
	v24 =	vld.idx.msk [tilespmem:v9+s2+$0x0], $0xffff  }
0x153: {  	v22 =	vadd.s32 s18, v26;
	v26 =	vand.u32 $0xFFFFFF80, v18;
	v9 =	vor.u32 s23, v4;
	v17 =	vld.idx.msk [tilespmem:v17+s11+$0x0], $0xffff  }
0x154: {  	s20 =	simm.s32 $0x700;
	v8 =	vimm.f32 $0.0e+00;
	v18 =	vand.u32 $0x7F, v18;
	v26 =	vadd.s32 s31, v26;
	v20 =	vld.idx.msk [tilespmem:v10+s2+$0x0], $0xffff  }
0x155: {  	s18 =	simm.s32 $0x980;
	v28 =	vor.u32 v16, v22;
	v30 =	vor.u32 v18, v26;
	v21 =	vor.u32 s20, v4;
	v10 =	vld.idx.msk [tilespmem:v12+s2+$0x0], $0xffff  }
0x156: {  	s24 =	simm.s32 $0x880;
	v18 =	vor.u32 s18, v4;
	v12 =	vand.u32 $0xFFFFFF80, v19;
	v26 =	vadd.f32 v15, v11;
	v15 =	vld.idx.msk [tilespmem:v25+s11+$0x0], $0xffff  }
0x157: {  	v31 =	vor.u32 s24, v4;
	v19 =	vand.u32 $0x7F, v19;
	v12 =	vadd.s32 s21, v12;
	v11 =	vld.idx.msk [tilespmem:v13+s2+$0x0], $0xffff  }
0x158: {  	v22 =	vand.u32 $0xFFFFFF80, v27;
	v32 =	vand.u32 $0x7F, v27;
	v29 =	vld.idx.msk [tilespmem:v9+s11+$0x0], $0xffff;
	v16 =	vand.u32 $0xFFFFFF80, v17  }
0x159: {  	v33 =	vadd.s32 s25, v22;
	v9 =	vld.idx.msk [tilespmem:v14+s2+$0x0], $0xffff;
	v13 =	vand.u32 $0x7F, v17;
	v25 =	vadd.s32 s26, v16  }
0x15a: {  	s22 =	simm.s32 $0x900;
	s21 =	simm.s32 $0x800;
	v22 =	vor.u32 v19, v12;
	v16 =	vld.idx.msk [tilespmem:v21+s11+$0x0], $0xffff;
	v20 =	vadd.f32 v24, v20;
	v21 =	vor.u32 v13, v25  }
0x15b: {  	v12 =	vld.idx.msk [tilespmem:v30+s2+$0x0], $0xffff;
	v14 =	vor.u32 s21, v4;
	v17 =	vor.u32 s22, v4;
	v24 =	vand.u32 $0xFFFFFF80, v23  }
0x15c: {  	v13 =	vld.idx.msk [tilespmem:v28+s2+$0x0], $0xffff;
	v27 =	vadd.s32 s28, v24;
	v19 =	vadd.f32 v20, v26;
	v26 =	vand.u32 $0x7F, v23  }
0x15d: {  	s25 =	simm.s32 $0x17;
	v20 =	vld.idx.msk [tilespmem:v31+s11+$0x0], $0xffff;
	v23 =	vor.u32 v32, v33;
	v25 =	vand.u32 $0xFFFFFF80, v29;
	v24 =	vand.u32 $0x7F, v29  }
.LBB2_10:
0x15e: {  	s26 =	sshll.u32 s25, $0x7;
	p0 =	sne.s32 s25, $0x63;
	s25 =	sadd.s32 $0x4, s25;
	v28 =	vld.idx.msk [tilespmem:v18+s11+$0x0], $0xffff;
	v27 =	vor.u32 v26, v27;
	v25 =	vadd.s32 s23, v25;
	v8 =	vadd.f32 v19, v8;
	v19 =	vmovc v11  }
0x15f: {  	v26 =	vand.u32 $0xFFFFFF80, v15;
	v29 =	vadd.f32 v10, v9;
	s28 =	sadd.s32 $0xFFFFFE80, s26;
	s29 =	sadd.s32 $0xFFFFFF00, s26;
	s30 =	sadd.s32 $0xFFFFFF80, s26;
	v18 =	vor.u32 s26, v4;
	v9 =	vld.idx.msk [tilespmem:v21+s2+$0x0], $0xffff  }
0x160: {  	s23 =	smov.u32 s18;
	v31 =	vand.u32 $0xFFFFFF80, v16;
	s18 =	smov.u32 s26;
	v33 =	vor.u32 s28, v4;
	v30 =	vor.u32 s29, v4;
	v11 =	vld.idx.msk [tilespmem:v22+s2+$0x0], $0xffff  }
.Ltmp4:
0x161: {  	v21 =	vand.u32 $0x7F, v15;
	v22 =	vadd.s32 s19, v26;
	v19 =	vadd.f32 v19, v13;
	s19 =	smov.u32 s21;
	s21 =	smov.u32 s28;
	v15 =	vld.idx.msk [tilespmem:v14+s11+$0x0], $0xffff;
	v14 =	vmovc v33;
	(pc) =	sbr.rel @p0 .LBB2_10-.Ltmp4, $4  }
0x162: {  	v32 =	vand.u32 $0x7F, v16;
	v21 =	vor.u32 v21, v22;
	v10 =	vmovc v12;
	v16 =	vld.idx.msk [tilespmem:v17+s11+$0x0], $0xffff;
	v17 =	vor.u32 s30, v4  }
0x163: {  	v31 =	vadd.s32 s20, v31;
	s20 =	smov.u32 s22;
	s22 =	smov.u32 s30;
	v22 =	vor.u32 v24, v25;
	v19 =	vadd.f32 v19, v29;
	v13 =	vld.idx.msk [tilespmem:v23+s2+$0x0], $0xffff  }
0x164: {  	v26 =	vand.u32 $0x7F, v20;
	v23 =	vand.u32 $0xFFFFFF80, v20;
	v25 =	vand.u32 $0xFFFFFF80, v28;
	v12 =	vld.idx.msk [tilespmem:v27+s2+$0x0], $0xffff  }
0x165: {  	v24 =	vand.u32 $0x7F, v28;
	v27 =	vadd.s32 s24, v23;
	v23 =	vor.u32 v32, v31;
	s24 =	smov.u32 s29;
	v20 =	vld.idx.msk [tilespmem:v30+s11+$0x0], $0xffff  }
0x166: {  	_ =	sdelay $0x3  }
0x167: {  	v18 =	vld.idx.msk [tilespmem:v18+s11+$0x0], $0xffff  }
0x168: {  	v26 =	vor.u32 v26, v27;
	v27 =	vand.u32 $0xFFFFFF80, v15;
	v14 =	vld.idx.msk [tilespmem:v14+s11+$0x0], $0xffff;
	v25 =	vadd.s32 s23, v25  }
0x169: {  	v15 =	vand.u32 $0x7F, v15;
	v27 =	vadd.s32 s19, v27;
	v28 =	vand.u32 $0xFFFFFF80, v16  }
0x16a: {  	v17 =	vld.idx.msk [tilespmem:v17+s11+$0x0], $0xffff;
	v16 =	vand.u32 $0x7F, v16;
	v15 =	vor.u32 v15, v27;
	v27 =	vadd.s32 s20, v28  }
0x16b: {  	v24 =	vor.u32 v24, v25;
	v16 =	vor.u32 v16, v27  }
0x16c: {  	v21 =	vld.idx.msk [tilespmem:v21+s2+$0x0], $0xffff;
	v25 =	vand.u32 $0xFFFFFF80, v20;
	v20 =	vand.u32 $0x7F, v20;
	v28 =	vand.u32 $0xFFFFFF80, v18  }
0x16d: {  	v22 =	vld.idx.msk [tilespmem:v22+s2+$0x0], $0xffff;
	v25 =	vadd.s32 s24, v25;
	v18 =	vand.u32 $0x7F, v18;
	v27 =	vand.u32 $0xFFFFFF80, v14  }
0x16e: {  	v23 =	vld.idx.msk [tilespmem:v23+s2+$0x0], $0xffff;
	v14 =	vand.u32 $0x7F, v14;
	v20 =	vor.u32 v20, v25;
	v25 =	vadd.s32 s21, v27  }
0x16f: {  	v26 =	vld.idx.msk [tilespmem:v26+s2+$0x0], $0xffff;
	v27 =	vadd.s32 s18, v28;
	v28 =	vand.u32 $0xFFFFFF80, v17;
	v14 =	vor.u32 v14, v25  }
0x170: {  	v17 =	vand.u32 $0x7F, v17;
	v24 =	vld.idx.msk [tilespmem:v24+s2+$0x0], $0xffff;
	v25 =	vadd.s32 s22, v28;
	v18 =	vor.u32 v18, v27  }
0x171: {  	v15 =	vld.idx.msk [tilespmem:v15+s2+$0x0], $0xffff;
	v17 =	vor.u32 v17, v25  }
0x172: {  	v9 =	vadd.f32 v10, v9;
	v10 =	vadd.f32 v11, v13;
	v11 =	vld.idx.msk [tilespmem:v16+s2+$0x0], $0xffff  }
0x173: {  	v13 =	vld.idx.msk [tilespmem:v20+s2+$0x0], $0xffff  }
0x174: {  	v9 =	vadd.f32 v10, v9;
	v10 =	vld.idx.msk [tilespmem:v14+s2+$0x0], $0xffff  }
0x175: {  	v8 =	vadd.f32 v19, v8;
	v16 =	vld.idx.msk [tilespmem:v18+s2+$0x0], $0xffff  }
0x176: {  	v12 =	vadd.f32 v12, v21;
	v14 =	vadd.f32 v22, v23;
	v17 =	vld.idx.msk [tilespmem:v17+s2+$0x0], $0xffff  }
0x177: {  	v8 =	vadd.f32 v9, v8;
	v11 =	vadd.f32 v24, v11  }
0x178: {  	v9 =	vadd.f32 v14, v12;
	v12 =	vadd.f32 v26, v15;
	_ =	sdelay $0x1  }
0x179: {  	v8 =	vadd.f32 v9, v8;
	v9 =	vadd.f32 v11, v12  }
0x17a: {  	v10 =	vadd.f32 v13, v10;
	v11 =	vadd.f32 v16, v17  }
0x17b: {  	v12 =	vld [tilespmem:$0x6840]  }
0x17c: {  	v8 =	vadd.f32 v9, v8;
	v9 =	vadd.f32 v11, v10;
	_ =	sdelay $0x1  }
0x17d: {  	v8 =	vadd.f32 v9, v8;
	_ =	sdelay $0x1  }
0x17e: {  	v8 =	vadd.f32 v12, v8;
	_ =	sdelay $0x1  }
0x17f: {  	v8 =	vsub.f32 $0.0e+00, v8;
	_ =	sdelay $0x1  }
0x180: {  	v8 =	vmul.f32 $1.442695020e+00, v8;
	_ =	sdelay $0x1  }
0x181: {  	(erf) = vpow2.f32 v8;
	_ =	sdelay $0x8  }
0x182: {  	v8 =	vpop (erf)  }
0x183: {  	v8 =	vadd.f32 $1.000000000e+00, v8;
	_ =	sdelay $0x1  }
0x184: {  	(erf) = vrcp.f32 v8;
	_ =	sdelay $0x4  }
0x185: {  	s25 =	simm.s32 $0x80  }
0x186: {  	s23 =	simm.s32 $0x0;
	v8 =	vor.u32 s25, v5  }
0x187: {  	v11 =	vor.u32 s23, v5  }
0x188: {  	s28 =	simm.s32 $0x280  }
0x189: {  	s26 =	simm.s32 $0x180;
	v12 =	vor.u32 s28, v5;
	v10 =	vpop (erf)  }
0x18a: {  	v9 =	vor.u32 s26, v5;
	[tilespmem:$0x68C0] =	vst v10  }
0x18b: {  	s24 =	simm.s32 $0x100;
	v8 =	vld.idx.msk [tilespmem:v8+s11+$0x0], $0xffff  }
0x18c: {  	s29 =	simm.s32 $0x380;
	v10 =	vor.u32 s24, v5;
	v11 =	vld.idx.msk [tilespmem:v11+s11+$0x0], $0xffff  }
0x18d: {  	s18 =	simm.s32 $0x300;
	v13 =	vor.u32 s29, v5  }
0x18e: {  	s30 =	simm.s32 $0x200;
	v16 =	vor.u32 s18, v5;
	v12 =	vld.idx.msk [tilespmem:v12+s11+$0x0], $0xffff  }
0x18f: {  	s31 =	simm.s32 $0x480;
	s21 =	simm.s32 $0x580;
	v14 =	vor.u32 s30, v5;
	v9 =	vld.idx.msk [tilespmem:v9+s11+$0x0], $0xffff  }
0x190: {  	v19 =	vor.u32 s21, v5;
	v18 =	vor.u32 s31, v5;
	v15 =	vand.u32 $0xFFFFFF80, v8  }
0x191: {  	v10 =	vld.idx.msk [tilespmem:v10+s11+$0x0], $0xffff;
	v8 =	vand.u32 $0x7F, v8;
	v17 =	vand.u32 $0xFFFFFF80, v11;
	v15 =	vadd.s32 s25, v15  }
0x192: {  	s19 =	simm.s32 $0x600;
	v13 =	vld.idx.msk [tilespmem:v13+s11+$0x0], $0xffff;
	v11 =	vand.u32 $0x7F, v11;
	v17 =	vadd.s32 s23, v17;
	v15 =	vor.u32 v8, v15  }
0x193: {  	v25 =	vor.u32 s19, v5;
	v16 =	vld.idx.msk [tilespmem:v16+s11+$0x0], $0xffff;
	v22 =	vand.u32 $0xFFFFFF80, v12;
	s25 =	simm.s32 $0x500;
	v11 =	vor.u32 v11, v17  }
0x194: {  	v14 =	vld.idx.msk [tilespmem:v14+s11+$0x0], $0xffff;
	v22 =	vadd.s32 s28, v22;
	s28 =	simm.s32 $0x680;
	v8 =	vand.u32 $0xFFFFFF80, v9;
	v21 =	vor.u32 s25, v5  }
0x195: {  	v18 =	vld.idx.msk [tilespmem:v18+s11+$0x0], $0xffff;
	v9 =	vand.u32 $0x7F, v9;
	v23 =	vor.u32 s28, v5;
	v20 =	vadd.s32 s26, v8  }
0x196: {  	v19 =	vld.idx.msk [tilespmem:v19+s11+$0x0], $0xffff;
	v12 =	vand.u32 $0x7F, v12;
	s26 =	simm.s32 $0x400;
	v9 =	vor.u32 v9, v20;
	v20 =	vand.u32 $0xFFFFFF80, v10  }
0x197: {  	v17 =	vor.u32 s26, v5;
	v10 =	vand.u32 $0x7F, v10;
	v20 =	vadd.s32 s24, v20;
	v15 =	vld.idx.msk [tilespmem:v15+s2+$0x0], $0xffff  }
0x198: {  	v26 =	vand.u32 $0xFFFFFF80, v16;
	v12 =	vor.u32 v12, v22;
	v10 =	vor.u32 v10, v20;
	v11 =	vld.idx.msk [tilespmem:v11+s2+$0x0], $0xffff  }
0x199: {  	v22 =	vand.u32 $0xFFFFFF80, v14;
	v14 =	vand.u32 $0x7F, v14;
	v20 =	vand.u32 $0xFFFFFF80, v13;
	v27 =	vld.idx.msk [tilespmem:v21+s11+$0x0], $0xffff  }
0x19a: {  	v22 =	vadd.s32 s30, v22;
	v13 =	vand.u32 $0x7F, v13;
	v20 =	vadd.s32 s29, v20;
	v23 =	vld.idx.msk [tilespmem:v23+s11+$0x0], $0xffff  }
0x19b: {  	v16 =	vand.u32 $0x7F, v16;
	s23 =	simm.s32 $0x780;
	v14 =	vor.u32 v14, v22;
	v13 =	vor.u32 v13, v20;
	v24 =	vld.idx.msk [tilespmem:v9+s2+$0x0], $0xffff  }
0x19c: {  	v22 =	vadd.s32 s18, v26;
	v26 =	vand.u32 $0xFFFFFF80, v18;
	v9 =	vor.u32 s23, v5;
	v17 =	vld.idx.msk [tilespmem:v17+s11+$0x0], $0xffff  }
0x19d: {  	s20 =	simm.s32 $0x700;
	v8 =	vimm.f32 $0.0e+00;
	v18 =	vand.u32 $0x7F, v18;
	v26 =	vadd.s32 s31, v26;
	v20 =	vld.idx.msk [tilespmem:v10+s2+$0x0], $0xffff  }
0x19e: {  	s18 =	simm.s32 $0x980;
	v28 =	vor.u32 v16, v22;
	v30 =	vor.u32 v18, v26;
	v21 =	vor.u32 s20, v5;
	v10 =	vld.idx.msk [tilespmem:v12+s2+$0x0], $0xffff  }
0x19f: {  	s24 =	simm.s32 $0x880;
	v18 =	vor.u32 s18, v5;
	v12 =	vand.u32 $0xFFFFFF80, v19;
	v26 =	vadd.f32 v15, v11;
	v15 =	vld.idx.msk [tilespmem:v25+s11+$0x0], $0xffff  }
0x1a0: {  	v31 =	vor.u32 s24, v5;
	v19 =	vand.u32 $0x7F, v19;
	v12 =	vadd.s32 s21, v12;
	v11 =	vld.idx.msk [tilespmem:v13+s2+$0x0], $0xffff  }
0x1a1: {  	v22 =	vand.u32 $0xFFFFFF80, v27;
	v32 =	vand.u32 $0x7F, v27;
	v29 =	vld.idx.msk [tilespmem:v9+s11+$0x0], $0xffff;
	v16 =	vand.u32 $0xFFFFFF80, v17  }
0x1a2: {  	v33 =	vadd.s32 s25, v22;
	v9 =	vld.idx.msk [tilespmem:v14+s2+$0x0], $0xffff;
	v13 =	vand.u32 $0x7F, v17;
	v25 =	vadd.s32 s26, v16  }
0x1a3: {  	s22 =	simm.s32 $0x900;
	s21 =	simm.s32 $0x800;
	v22 =	vor.u32 v19, v12;
	v16 =	vld.idx.msk [tilespmem:v21+s11+$0x0], $0xffff;
	v20 =	vadd.f32 v24, v20;
	v21 =	vor.u32 v13, v25  }
0x1a4: {  	v12 =	vld.idx.msk [tilespmem:v30+s2+$0x0], $0xffff;
	v14 =	vor.u32 s21, v5;
	v17 =	vor.u32 s22, v5;
	v24 =	vand.u32 $0xFFFFFF80, v23  }
0x1a5: {  	v13 =	vld.idx.msk [tilespmem:v28+s2+$0x0], $0xffff;
	v27 =	vadd.s32 s28, v24;
	v19 =	vadd.f32 v20, v26;
	v26 =	vand.u32 $0x7F, v23  }
0x1a6: {  	s25 =	simm.s32 $0x17;
	v20 =	vld.idx.msk [tilespmem:v31+s11+$0x0], $0xffff;
	v23 =	vor.u32 v32, v33;
	v25 =	vand.u32 $0xFFFFFF80, v29;
	v24 =	vand.u32 $0x7F, v29  }
.LBB2_12:
0x1a7: {  	s26 =	sshll.u32 s25, $0x7;
	p0 =	sne.s32 s25, $0x63;
	s25 =	sadd.s32 $0x4, s25;
	v28 =	vld.idx.msk [tilespmem:v18+s11+$0x0], $0xffff;
	v27 =	vor.u32 v26, v27;
	v25 =	vadd.s32 s23, v25;
	v8 =	vadd.f32 v19, v8;
	v19 =	vmovc v11  }
0x1a8: {  	v26 =	vand.u32 $0xFFFFFF80, v15;
	v29 =	vadd.f32 v10, v9;
	s28 =	sadd.s32 $0xFFFFFE80, s26;
	s29 =	sadd.s32 $0xFFFFFF00, s26;
	s30 =	sadd.s32 $0xFFFFFF80, s26;
	v18 =	vor.u32 s26, v5;
	v9 =	vld.idx.msk [tilespmem:v21+s2+$0x0], $0xffff  }
0x1a9: {  	s23 =	smov.u32 s18;
	v31 =	vand.u32 $0xFFFFFF80, v16;
	s18 =	smov.u32 s26;
	v33 =	vor.u32 s28, v5;
	v30 =	vor.u32 s29, v5;
	v11 =	vld.idx.msk [tilespmem:v22+s2+$0x0], $0xffff  }
.Ltmp5:
0x1aa: {  	v21 =	vand.u32 $0x7F, v15;
	v22 =	vadd.s32 s19, v26;
	v19 =	vadd.f32 v19, v13;
	s19 =	smov.u32 s21;
	s21 =	smov.u32 s28;
	v15 =	vld.idx.msk [tilespmem:v14+s11+$0x0], $0xffff;
	v14 =	vmovc v33;
	(pc) =	sbr.rel @p0 .LBB2_12-.Ltmp5, $4  }
0x1ab: {  	v32 =	vand.u32 $0x7F, v16;
	v21 =	vor.u32 v21, v22;
	v10 =	vmovc v12;
	v16 =	vld.idx.msk [tilespmem:v17+s11+$0x0], $0xffff;
	v17 =	vor.u32 s30, v5  }
0x1ac: {  	v31 =	vadd.s32 s20, v31;
	s20 =	smov.u32 s22;
	s22 =	smov.u32 s30;
	v22 =	vor.u32 v24, v25;
	v19 =	vadd.f32 v19, v29;
	v13 =	vld.idx.msk [tilespmem:v23+s2+$0x0], $0xffff  }
0x1ad: {  	v26 =	vand.u32 $0x7F, v20;
	v23 =	vand.u32 $0xFFFFFF80, v20;
	v25 =	vand.u32 $0xFFFFFF80, v28;
	v12 =	vld.idx.msk [tilespmem:v27+s2+$0x0], $0xffff  }
0x1ae: {  	v24 =	vand.u32 $0x7F, v28;
	v27 =	vadd.s32 s24, v23;
	v23 =	vor.u32 v32, v31;
	s24 =	smov.u32 s29;
	v20 =	vld.idx.msk [tilespmem:v30+s11+$0x0], $0xffff  }
0x1af: {  	_ =	sdelay $0x3  }
0x1b0: {  	v18 =	vld.idx.msk [tilespmem:v18+s11+$0x0], $0xffff  }
0x1b1: {  	v26 =	vor.u32 v26, v27;
	v27 =	vand.u32 $0xFFFFFF80, v15;
	v14 =	vld.idx.msk [tilespmem:v14+s11+$0x0], $0xffff;
	v25 =	vadd.s32 s23, v25  }
0x1b2: {  	v15 =	vand.u32 $0x7F, v15;
	v27 =	vadd.s32 s19, v27;
	v28 =	vand.u32 $0xFFFFFF80, v16  }
0x1b3: {  	v17 =	vld.idx.msk [tilespmem:v17+s11+$0x0], $0xffff;
	v16 =	vand.u32 $0x7F, v16;
	v15 =	vor.u32 v15, v27;
	v27 =	vadd.s32 s20, v28  }
0x1b4: {  	v24 =	vor.u32 v24, v25;
	v16 =	vor.u32 v16, v27  }
0x1b5: {  	v21 =	vld.idx.msk [tilespmem:v21+s2+$0x0], $0xffff;
	v25 =	vand.u32 $0xFFFFFF80, v20;
	v20 =	vand.u32 $0x7F, v20;
	v28 =	vand.u32 $0xFFFFFF80, v18  }
0x1b6: {  	v22 =	vld.idx.msk [tilespmem:v22+s2+$0x0], $0xffff;
	v25 =	vadd.s32 s24, v25;
	v18 =	vand.u32 $0x7F, v18;
	v27 =	vand.u32 $0xFFFFFF80, v14  }
0x1b7: {  	v23 =	vld.idx.msk [tilespmem:v23+s2+$0x0], $0xffff;
	v14 =	vand.u32 $0x7F, v14;
	v20 =	vor.u32 v20, v25;
	v25 =	vadd.s32 s21, v27  }
0x1b8: {  	v26 =	vld.idx.msk [tilespmem:v26+s2+$0x0], $0xffff;
	v27 =	vadd.s32 s18, v28;
	v28 =	vand.u32 $0xFFFFFF80, v17;
	v14 =	vor.u32 v14, v25  }
0x1b9: {  	v17 =	vand.u32 $0x7F, v17;
	v24 =	vld.idx.msk [tilespmem:v24+s2+$0x0], $0xffff;
	v25 =	vadd.s32 s22, v28;
	v18 =	vor.u32 v18, v27  }
0x1ba: {  	v15 =	vld.idx.msk [tilespmem:v15+s2+$0x0], $0xffff;
	v17 =	vor.u32 v17, v25  }
0x1bb: {  	v9 =	vadd.f32 v10, v9;
	v10 =	vadd.f32 v11, v13;
	v11 =	vld.idx.msk [tilespmem:v16+s2+$0x0], $0xffff  }
0x1bc: {  	v13 =	vld.idx.msk [tilespmem:v20+s2+$0x0], $0xffff  }
0x1bd: {  	v9 =	vadd.f32 v10, v9;
	v10 =	vld.idx.msk [tilespmem:v14+s2+$0x0], $0xffff  }
0x1be: {  	v8 =	vadd.f32 v19, v8;
	v16 =	vld.idx.msk [tilespmem:v18+s2+$0x0], $0xffff  }
0x1bf: {  	v12 =	vadd.f32 v12, v21;
	v14 =	vadd.f32 v22, v23;
	v17 =	vld.idx.msk [tilespmem:v17+s2+$0x0], $0xffff  }
0x1c0: {  	v8 =	vadd.f32 v9, v8;
	v11 =	vadd.f32 v24, v11  }
0x1c1: {  	v9 =	vadd.f32 v14, v12;
	v12 =	vadd.f32 v26, v15;
	_ =	sdelay $0x1  }
0x1c2: {  	v8 =	vadd.f32 v9, v8;
	v9 =	vadd.f32 v11, v12  }
0x1c3: {  	v10 =	vadd.f32 v13, v10;
	v11 =	vadd.f32 v16, v17  }
0x1c4: {  	v12 =	vld [tilespmem:$0x6850]  }
0x1c5: {  	v8 =	vadd.f32 v9, v8;
	v9 =	vadd.f32 v11, v10;
	_ =	sdelay $0x1  }
0x1c6: {  	v8 =	vadd.f32 v9, v8;
	_ =	sdelay $0x1  }
0x1c7: {  	v8 =	vadd.f32 v12, v8;
	_ =	sdelay $0x1  }
0x1c8: {  	v8 =	vsub.f32 $0.0e+00, v8;
	_ =	sdelay $0x1  }
0x1c9: {  	v8 =	vmul.f32 $1.442695020e+00, v8;
	_ =	sdelay $0x1  }
0x1ca: {  	(erf) = vpow2.f32 v8;
	_ =	sdelay $0x8  }
0x1cb: {  	v8 =	vpop (erf)  }
0x1cc: {  	v8 =	vadd.f32 $1.000000000e+00, v8;
	_ =	sdelay $0x1  }
0x1cd: {  	(erf) = vrcp.f32 v8;
	_ =	sdelay $0x4  }
0x1ce: {  	s25 =	simm.s32 $0x80  }
0x1cf: {  	s23 =	simm.s32 $0x0;
	v8 =	vor.u32 s25, v6  }
0x1d0: {  	v11 =	vor.u32 s23, v6  }
0x1d1: {  	s28 =	simm.s32 $0x280  }
0x1d2: {  	s26 =	simm.s32 $0x180;
	v12 =	vor.u32 s28, v6;
	v10 =	vpop (erf)  }
0x1d3: {  	v9 =	vor.u32 s26, v6;
	[tilespmem:$0x68D0] =	vst v10  }
0x1d4: {  	s24 =	simm.s32 $0x100;
	v8 =	vld.idx.msk [tilespmem:v8+s11+$0x0], $0xffff  }
0x1d5: {  	s29 =	simm.s32 $0x380;
	v10 =	vor.u32 s24, v6;
	v11 =	vld.idx.msk [tilespmem:v11+s11+$0x0], $0xffff  }
0x1d6: {  	s18 =	simm.s32 $0x300;
	v13 =	vor.u32 s29, v6  }
0x1d7: {  	s30 =	simm.s32 $0x200;
	v16 =	vor.u32 s18, v6;
	v12 =	vld.idx.msk [tilespmem:v12+s11+$0x0], $0xffff  }
0x1d8: {  	s31 =	simm.s32 $0x480;
	s21 =	simm.s32 $0x580;
	v14 =	vor.u32 s30, v6;
	v9 =	vld.idx.msk [tilespmem:v9+s11+$0x0], $0xffff  }
0x1d9: {  	v19 =	vor.u32 s21, v6;
	v18 =	vor.u32 s31, v6;
	v15 =	vand.u32 $0xFFFFFF80, v8  }
0x1da: {  	v10 =	vld.idx.msk [tilespmem:v10+s11+$0x0], $0xffff;
	v8 =	vand.u32 $0x7F, v8;
	v17 =	vand.u32 $0xFFFFFF80, v11;
	v15 =	vadd.s32 s25, v15  }
0x1db: {  	s19 =	simm.s32 $0x600;
	v13 =	vld.idx.msk [tilespmem:v13+s11+$0x0], $0xffff;
	v11 =	vand.u32 $0x7F, v11;
	v17 =	vadd.s32 s23, v17;
	v15 =	vor.u32 v8, v15  }
0x1dc: {  	v25 =	vor.u32 s19, v6;
	v16 =	vld.idx.msk [tilespmem:v16+s11+$0x0], $0xffff;
	v22 =	vand.u32 $0xFFFFFF80, v12;
	s25 =	simm.s32 $0x500;
	v11 =	vor.u32 v11, v17  }
0x1dd: {  	v14 =	vld.idx.msk [tilespmem:v14+s11+$0x0], $0xffff;
	v22 =	vadd.s32 s28, v22;
	s28 =	simm.s32 $0x680;
	v8 =	vand.u32 $0xFFFFFF80, v9;
	v21 =	vor.u32 s25, v6  }
0x1de: {  	v18 =	vld.idx.msk [tilespmem:v18+s11+$0x0], $0xffff;
	v9 =	vand.u32 $0x7F, v9;
	v23 =	vor.u32 s28, v6;
	v20 =	vadd.s32 s26, v8  }
0x1df: {  	v19 =	vld.idx.msk [tilespmem:v19+s11+$0x0], $0xffff;
	v12 =	vand.u32 $0x7F, v12;
	s26 =	simm.s32 $0x400;
	v9 =	vor.u32 v9, v20;
	v20 =	vand.u32 $0xFFFFFF80, v10  }
0x1e0: {  	v17 =	vor.u32 s26, v6;
	v10 =	vand.u32 $0x7F, v10;
	v20 =	vadd.s32 s24, v20;
	v15 =	vld.idx.msk [tilespmem:v15+s2+$0x0], $0xffff  }
0x1e1: {  	v26 =	vand.u32 $0xFFFFFF80, v16;
	v12 =	vor.u32 v12, v22;
	v10 =	vor.u32 v10, v20;
	v11 =	vld.idx.msk [tilespmem:v11+s2+$0x0], $0xffff  }
0x1e2: {  	v22 =	vand.u32 $0xFFFFFF80, v14;
	v14 =	vand.u32 $0x7F, v14;
	v20 =	vand.u32 $0xFFFFFF80, v13;
	v27 =	vld.idx.msk [tilespmem:v21+s11+$0x0], $0xffff  }
0x1e3: {  	v22 =	vadd.s32 s30, v22;
	v13 =	vand.u32 $0x7F, v13;
	v20 =	vadd.s32 s29, v20;
	v23 =	vld.idx.msk [tilespmem:v23+s11+$0x0], $0xffff  }
0x1e4: {  	v16 =	vand.u32 $0x7F, v16;
	s23 =	simm.s32 $0x780;
	v14 =	vor.u32 v14, v22;
	v13 =	vor.u32 v13, v20;
	v24 =	vld.idx.msk [tilespmem:v9+s2+$0x0], $0xffff  }
0x1e5: {  	v22 =	vadd.s32 s18, v26;
	v26 =	vand.u32 $0xFFFFFF80, v18;
	v9 =	vor.u32 s23, v6;
	v17 =	vld.idx.msk [tilespmem:v17+s11+$0x0], $0xffff  }
0x1e6: {  	s20 =	simm.s32 $0x700;
	v8 =	vimm.f32 $0.0e+00;
	v18 =	vand.u32 $0x7F, v18;
	v26 =	vadd.s32 s31, v26;
	v20 =	vld.idx.msk [tilespmem:v10+s2+$0x0], $0xffff  }
0x1e7: {  	s18 =	simm.s32 $0x980;
	v28 =	vor.u32 v16, v22;
	v30 =	vor.u32 v18, v26;
	v21 =	vor.u32 s20, v6;
	v10 =	vld.idx.msk [tilespmem:v12+s2+$0x0], $0xffff  }
0x1e8: {  	s24 =	simm.s32 $0x880;
	v18 =	vor.u32 s18, v6;
	v12 =	vand.u32 $0xFFFFFF80, v19;
	v26 =	vadd.f32 v15, v11;
	v15 =	vld.idx.msk [tilespmem:v25+s11+$0x0], $0xffff  }
0x1e9: {  	v31 =	vor.u32 s24, v6;
	v19 =	vand.u32 $0x7F, v19;
	v12 =	vadd.s32 s21, v12;
	v11 =	vld.idx.msk [tilespmem:v13+s2+$0x0], $0xffff  }
0x1ea: {  	v22 =	vand.u32 $0xFFFFFF80, v27;
	v32 =	vand.u32 $0x7F, v27;
	v29 =	vld.idx.msk [tilespmem:v9+s11+$0x0], $0xffff;
	v16 =	vand.u32 $0xFFFFFF80, v17  }
0x1eb: {  	v33 =	vadd.s32 s25, v22;
	v9 =	vld.idx.msk [tilespmem:v14+s2+$0x0], $0xffff;
	v13 =	vand.u32 $0x7F, v17;
	v25 =	vadd.s32 s26, v16  }
0x1ec: {  	s22 =	simm.s32 $0x900;
	s21 =	simm.s32 $0x800;
	v22 =	vor.u32 v19, v12;
	v16 =	vld.idx.msk [tilespmem:v21+s11+$0x0], $0xffff;
	v20 =	vadd.f32 v24, v20;
	v21 =	vor.u32 v13, v25  }
0x1ed: {  	v12 =	vld.idx.msk [tilespmem:v30+s2+$0x0], $0xffff;
	v14 =	vor.u32 s21, v6;
	v17 =	vor.u32 s22, v6;
	v24 =	vand.u32 $0xFFFFFF80, v23  }
0x1ee: {  	v13 =	vld.idx.msk [tilespmem:v28+s2+$0x0], $0xffff;
	v27 =	vadd.s32 s28, v24;
	v19 =	vadd.f32 v20, v26;
	v26 =	vand.u32 $0x7F, v23  }
0x1ef: {  	s25 =	simm.s32 $0x17;
	v20 =	vld.idx.msk [tilespmem:v31+s11+$0x0], $0xffff;
	v23 =	vor.u32 v32, v33;
	v25 =	vand.u32 $0xFFFFFF80, v29;
	v24 =	vand.u32 $0x7F, v29  }
.LBB2_14:
0x1f0: {  	s26 =	sshll.u32 s25, $0x7;
	p0 =	sne.s32 s25, $0x63;
	s25 =	sadd.s32 $0x4, s25;
	v28 =	vld.idx.msk [tilespmem:v18+s11+$0x0], $0xffff;
	v27 =	vor.u32 v26, v27;
	v25 =	vadd.s32 s23, v25;
	v8 =	vadd.f32 v19, v8;
	v19 =	vmovc v11  }
0x1f1: {  	v26 =	vand.u32 $0xFFFFFF80, v15;
	v29 =	vadd.f32 v10, v9;
	s28 =	sadd.s32 $0xFFFFFE80, s26;
	s29 =	sadd.s32 $0xFFFFFF00, s26;
	s30 =	sadd.s32 $0xFFFFFF80, s26;
	v18 =	vor.u32 s26, v6;
	v9 =	vld.idx.msk [tilespmem:v21+s2+$0x0], $0xffff  }
0x1f2: {  	s23 =	smov.u32 s18;
	v31 =	vand.u32 $0xFFFFFF80, v16;
	s18 =	smov.u32 s26;
	v33 =	vor.u32 s28, v6;
	v30 =	vor.u32 s29, v6;
	v11 =	vld.idx.msk [tilespmem:v22+s2+$0x0], $0xffff  }
.Ltmp6:
0x1f3: {  	v21 =	vand.u32 $0x7F, v15;
	v22 =	vadd.s32 s19, v26;
	v19 =	vadd.f32 v19, v13;
	s19 =	smov.u32 s21;
	s21 =	smov.u32 s28;
	v15 =	vld.idx.msk [tilespmem:v14+s11+$0x0], $0xffff;
	v14 =	vmovc v33;
	(pc) =	sbr.rel @p0 .LBB2_14-.Ltmp6, $4  }
0x1f4: {  	v32 =	vand.u32 $0x7F, v16;
	v21 =	vor.u32 v21, v22;
	v10 =	vmovc v12;
	v16 =	vld.idx.msk [tilespmem:v17+s11+$0x0], $0xffff;
	v17 =	vor.u32 s30, v6  }
0x1f5: {  	v31 =	vadd.s32 s20, v31;
	s20 =	smov.u32 s22;
	s22 =	smov.u32 s30;
	v22 =	vor.u32 v24, v25;
	v19 =	vadd.f32 v19, v29;
	v13 =	vld.idx.msk [tilespmem:v23+s2+$0x0], $0xffff  }
0x1f6: {  	v26 =	vand.u32 $0x7F, v20;
	v23 =	vand.u32 $0xFFFFFF80, v20;
	v25 =	vand.u32 $0xFFFFFF80, v28;
	v12 =	vld.idx.msk [tilespmem:v27+s2+$0x0], $0xffff  }
0x1f7: {  	v24 =	vand.u32 $0x7F, v28;
	v27 =	vadd.s32 s24, v23;
	v23 =	vor.u32 v32, v31;
	s24 =	smov.u32 s29;
	v20 =	vld.idx.msk [tilespmem:v30+s11+$0x0], $0xffff  }
0x1f8: {  	_ =	sdelay $0x3  }
0x1f9: {  	v18 =	vld.idx.msk [tilespmem:v18+s11+$0x0], $0xffff  }
0x1fa: {  	v26 =	vor.u32 v26, v27;
	v27 =	vand.u32 $0xFFFFFF80, v15;
	v14 =	vld.idx.msk [tilespmem:v14+s11+$0x0], $0xffff;
	v25 =	vadd.s32 s23, v25  }
0x1fb: {  	v15 =	vand.u32 $0x7F, v15;
	v27 =	vadd.s32 s19, v27;
	v28 =	vand.u32 $0xFFFFFF80, v16  }
0x1fc: {  	v17 =	vld.idx.msk [tilespmem:v17+s11+$0x0], $0xffff;
	v16 =	vand.u32 $0x7F, v16;
	v15 =	vor.u32 v15, v27;
	v27 =	vadd.s32 s20, v28  }
0x1fd: {  	v24 =	vor.u32 v24, v25;
	v16 =	vor.u32 v16, v27  }
0x1fe: {  	v21 =	vld.idx.msk [tilespmem:v21+s2+$0x0], $0xffff;
	v25 =	vand.u32 $0xFFFFFF80, v20;
	v20 =	vand.u32 $0x7F, v20;
	v28 =	vand.u32 $0xFFFFFF80, v18  }
0x1ff: {  	v22 =	vld.idx.msk [tilespmem:v22+s2+$0x0], $0xffff;
	v25 =	vadd.s32 s24, v25;
	v18 =	vand.u32 $0x7F, v18;
	v27 =	vand.u32 $0xFFFFFF80, v14  }
0x200: {  	v23 =	vld.idx.msk [tilespmem:v23+s2+$0x0], $0xffff;
	v14 =	vand.u32 $0x7F, v14;
	v20 =	vor.u32 v20, v25;
	v25 =	vadd.s32 s21, v27  }
0x201: {  	v26 =	vld.idx.msk [tilespmem:v26+s2+$0x0], $0xffff;
	v27 =	vadd.s32 s18, v28;
	v28 =	vand.u32 $0xFFFFFF80, v17;
	v14 =	vor.u32 v14, v25  }
0x202: {  	v17 =	vand.u32 $0x7F, v17;
	v24 =	vld.idx.msk [tilespmem:v24+s2+$0x0], $0xffff;
	v25 =	vadd.s32 s22, v28;
	v18 =	vor.u32 v18, v27  }
0x203: {  	v15 =	vld.idx.msk [tilespmem:v15+s2+$0x0], $0xffff;
	v17 =	vor.u32 v17, v25  }
0x204: {  	v9 =	vadd.f32 v10, v9;
	v10 =	vadd.f32 v11, v13;
	v11 =	vld.idx.msk [tilespmem:v16+s2+$0x0], $0xffff  }
0x205: {  	v13 =	vld.idx.msk [tilespmem:v20+s2+$0x0], $0xffff  }
0x206: {  	v9 =	vadd.f32 v10, v9;
	v10 =	vld.idx.msk [tilespmem:v14+s2+$0x0], $0xffff  }
0x207: {  	v8 =	vadd.f32 v19, v8;
	v16 =	vld.idx.msk [tilespmem:v18+s2+$0x0], $0xffff  }
0x208: {  	v12 =	vadd.f32 v12, v21;
	v14 =	vadd.f32 v22, v23;
	v17 =	vld.idx.msk [tilespmem:v17+s2+$0x0], $0xffff  }
0x209: {  	v8 =	vadd.f32 v9, v8;
	v11 =	vadd.f32 v24, v11  }
0x20a: {  	v9 =	vadd.f32 v14, v12;
	v12 =	vadd.f32 v26, v15;
	_ =	sdelay $0x1  }
0x20b: {  	v8 =	vadd.f32 v9, v8;
	v9 =	vadd.f32 v11, v12  }
0x20c: {  	v10 =	vadd.f32 v13, v10;
	v11 =	vadd.f32 v16, v17  }
0x20d: {  	v12 =	vld [tilespmem:$0x6860]  }
0x20e: {  	v8 =	vadd.f32 v9, v8;
	v9 =	vadd.f32 v11, v10;
	_ =	sdelay $0x1  }
0x20f: {  	v8 =	vadd.f32 v9, v8;
	_ =	sdelay $0x1  }
0x210: {  	v8 =	vadd.f32 v12, v8;
	_ =	sdelay $0x1  }
0x211: {  	v8 =	vsub.f32 $0.0e+00, v8;
	_ =	sdelay $0x1  }
0x212: {  	v8 =	vmul.f32 $1.442695020e+00, v8;
	_ =	sdelay $0x1  }
0x213: {  	(erf) = vpow2.f32 v8;
	_ =	sdelay $0x8  }
0x214: {  	v8 =	vpop (erf)  }
0x215: {  	v8 =	vadd.f32 $1.000000000e+00, v8;
	_ =	sdelay $0x1  }
0x216: {  	(erf) = vrcp.f32 v8;
	_ =	sdelay $0x4  }
0x217: {  	s25 =	simm.s32 $0x80  }
0x218: {  	s23 =	simm.s32 $0x0;
	v8 =	vor.u32 s25, v7  }
0x219: {  	v11 =	vor.u32 s23, v7  }
0x21a: {  	s28 =	simm.s32 $0x280  }
0x21b: {  	s26 =	simm.s32 $0x180;
	v12 =	vor.u32 s28, v7;
	v10 =	vpop (erf)  }
0x21c: {  	v9 =	vor.u32 s26, v7;
	[tilespmem:$0x68E0] =	vst v10  }
0x21d: {  	s24 =	simm.s32 $0x100;
	v8 =	vld.idx.msk [tilespmem:v8+s11+$0x0], $0xffff  }
0x21e: {  	s29 =	simm.s32 $0x380;
	v10 =	vor.u32 s24, v7;
	v11 =	vld.idx.msk [tilespmem:v11+s11+$0x0], $0xffff  }
0x21f: {  	s18 =	simm.s32 $0x300;
	v13 =	vor.u32 s29, v7  }
0x220: {  	s30 =	simm.s32 $0x200;
	v16 =	vor.u32 s18, v7;
	v12 =	vld.idx.msk [tilespmem:v12+s11+$0x0], $0xffff  }
0x221: {  	s31 =	simm.s32 $0x480;
	s21 =	simm.s32 $0x580;
	v14 =	vor.u32 s30, v7;
	v9 =	vld.idx.msk [tilespmem:v9+s11+$0x0], $0xffff  }
0x222: {  	v19 =	vor.u32 s21, v7;
	v18 =	vor.u32 s31, v7;
	v15 =	vand.u32 $0xFFFFFF80, v8  }
0x223: {  	v10 =	vld.idx.msk [tilespmem:v10+s11+$0x0], $0xffff;
	v8 =	vand.u32 $0x7F, v8;
	v17 =	vand.u32 $0xFFFFFF80, v11;
	v15 =	vadd.s32 s25, v15  }
0x224: {  	s19 =	simm.s32 $0x600;
	v13 =	vld.idx.msk [tilespmem:v13+s11+$0x0], $0xffff;
	v11 =	vand.u32 $0x7F, v11;
	v17 =	vadd.s32 s23, v17;
	v15 =	vor.u32 v8, v15  }
0x225: {  	v25 =	vor.u32 s19, v7;
	v16 =	vld.idx.msk [tilespmem:v16+s11+$0x0], $0xffff;
	v22 =	vand.u32 $0xFFFFFF80, v12;
	s25 =	simm.s32 $0x500;
	v11 =	vor.u32 v11, v17  }
0x226: {  	v14 =	vld.idx.msk [tilespmem:v14+s11+$0x0], $0xffff;
	v22 =	vadd.s32 s28, v22;
	s28 =	simm.s32 $0x680;
	v8 =	vand.u32 $0xFFFFFF80, v9;
	v21 =	vor.u32 s25, v7  }
0x227: {  	v18 =	vld.idx.msk [tilespmem:v18+s11+$0x0], $0xffff;
	v9 =	vand.u32 $0x7F, v9;
	v23 =	vor.u32 s28, v7;
	v20 =	vadd.s32 s26, v8  }
0x228: {  	v19 =	vld.idx.msk [tilespmem:v19+s11+$0x0], $0xffff;
	v12 =	vand.u32 $0x7F, v12;
	s26 =	simm.s32 $0x400;
	v9 =	vor.u32 v9, v20;
	v20 =	vand.u32 $0xFFFFFF80, v10  }
0x229: {  	v17 =	vor.u32 s26, v7;
	v10 =	vand.u32 $0x7F, v10;
	v20 =	vadd.s32 s24, v20;
	v15 =	vld.idx.msk [tilespmem:v15+s2+$0x0], $0xffff  }
0x22a: {  	v26 =	vand.u32 $0xFFFFFF80, v16;
	v12 =	vor.u32 v12, v22;
	v10 =	vor.u32 v10, v20;
	v11 =	vld.idx.msk [tilespmem:v11+s2+$0x0], $0xffff  }
0x22b: {  	v22 =	vand.u32 $0xFFFFFF80, v14;
	v14 =	vand.u32 $0x7F, v14;
	v20 =	vand.u32 $0xFFFFFF80, v13;
	v27 =	vld.idx.msk [tilespmem:v21+s11+$0x0], $0xffff  }
0x22c: {  	v22 =	vadd.s32 s30, v22;
	v13 =	vand.u32 $0x7F, v13;
	v20 =	vadd.s32 s29, v20;
	v23 =	vld.idx.msk [tilespmem:v23+s11+$0x0], $0xffff  }
0x22d: {  	v16 =	vand.u32 $0x7F, v16;
	s23 =	simm.s32 $0x780;
	v14 =	vor.u32 v14, v22;
	v13 =	vor.u32 v13, v20;
	v24 =	vld.idx.msk [tilespmem:v9+s2+$0x0], $0xffff  }
0x22e: {  	v22 =	vadd.s32 s18, v26;
	v26 =	vand.u32 $0xFFFFFF80, v18;
	v9 =	vor.u32 s23, v7;
	v17 =	vld.idx.msk [tilespmem:v17+s11+$0x0], $0xffff  }
0x22f: {  	s20 =	simm.s32 $0x700;
	v8 =	vimm.f32 $0.0e+00;
	v18 =	vand.u32 $0x7F, v18;
	v26 =	vadd.s32 s31, v26;
	v20 =	vld.idx.msk [tilespmem:v10+s2+$0x0], $0xffff  }
0x230: {  	s18 =	simm.s32 $0x980;
	v28 =	vor.u32 v16, v22;
	v30 =	vor.u32 v18, v26;
	v21 =	vor.u32 s20, v7;
	v10 =	vld.idx.msk [tilespmem:v12+s2+$0x0], $0xffff  }
0x231: {  	s24 =	simm.s32 $0x880;
	v18 =	vor.u32 s18, v7;
	v12 =	vand.u32 $0xFFFFFF80, v19;
	v26 =	vadd.f32 v15, v11;
	v15 =	vld.idx.msk [tilespmem:v25+s11+$0x0], $0xffff  }
0x232: {  	v31 =	vor.u32 s24, v7;
	v19 =	vand.u32 $0x7F, v19;
	v12 =	vadd.s32 s21, v12;
	v11 =	vld.idx.msk [tilespmem:v13+s2+$0x0], $0xffff  }
0x233: {  	v22 =	vand.u32 $0xFFFFFF80, v27;
	v32 =	vand.u32 $0x7F, v27;
	v29 =	vld.idx.msk [tilespmem:v9+s11+$0x0], $0xffff;
	v16 =	vand.u32 $0xFFFFFF80, v17  }
0x234: {  	v33 =	vadd.s32 s25, v22;
	v9 =	vld.idx.msk [tilespmem:v14+s2+$0x0], $0xffff;
	v13 =	vand.u32 $0x7F, v17;
	v25 =	vadd.s32 s26, v16  }
0x235: {  	s22 =	simm.s32 $0x900;
	s21 =	simm.s32 $0x800;
	v22 =	vor.u32 v19, v12;
	v16 =	vld.idx.msk [tilespmem:v21+s11+$0x0], $0xffff;
	v20 =	vadd.f32 v24, v20;
	v21 =	vor.u32 v13, v25  }
0x236: {  	v12 =	vld.idx.msk [tilespmem:v30+s2+$0x0], $0xffff;
	v14 =	vor.u32 s21, v7;
	v17 =	vor.u32 s22, v7;
	v24 =	vand.u32 $0xFFFFFF80, v23  }
0x237: {  	v13 =	vld.idx.msk [tilespmem:v28+s2+$0x0], $0xffff;
	v27 =	vadd.s32 s28, v24;
	v19 =	vadd.f32 v20, v26;
	v26 =	vand.u32 $0x7F, v23  }
0x238: {  	s25 =	simm.s32 $0x17;
	v20 =	vld.idx.msk [tilespmem:v31+s11+$0x0], $0xffff;
	v23 =	vor.u32 v32, v33;
	v25 =	vand.u32 $0xFFFFFF80, v29;
	v24 =	vand.u32 $0x7F, v29  }
.LBB2_16:
0x239: {  	s26 =	sshll.u32 s25, $0x7;
	p0 =	sne.s32 s25, $0x63;
	s25 =	sadd.s32 $0x4, s25;
	v28 =	vld.idx.msk [tilespmem:v18+s11+$0x0], $0xffff;
	v27 =	vor.u32 v26, v27;
	v25 =	vadd.s32 s23, v25;
	v8 =	vadd.f32 v19, v8;
	v19 =	vmovc v11  }
0x23a: {  	v26 =	vand.u32 $0xFFFFFF80, v15;
	v29 =	vadd.f32 v10, v9;
	s28 =	sadd.s32 $0xFFFFFE80, s26;
	s29 =	sadd.s32 $0xFFFFFF00, s26;
	s30 =	sadd.s32 $0xFFFFFF80, s26;
	v18 =	vor.u32 s26, v7;
	v9 =	vld.idx.msk [tilespmem:v21+s2+$0x0], $0xffff  }
0x23b: {  	s23 =	smov.u32 s18;
	v31 =	vand.u32 $0xFFFFFF80, v16;
	s18 =	smov.u32 s26;
	v33 =	vor.u32 s28, v7;
	v30 =	vor.u32 s29, v7;
	v11 =	vld.idx.msk [tilespmem:v22+s2+$0x0], $0xffff  }
.Ltmp7:
0x23c: {  	v21 =	vand.u32 $0x7F, v15;
	v22 =	vadd.s32 s19, v26;
	v19 =	vadd.f32 v19, v13;
	s19 =	smov.u32 s21;
	s21 =	smov.u32 s28;
	v15 =	vld.idx.msk [tilespmem:v14+s11+$0x0], $0xffff;
	v14 =	vmovc v33;
	(pc) =	sbr.rel @p0 .LBB2_16-.Ltmp7, $4  }
0x23d: {  	v32 =	vand.u32 $0x7F, v16;
	v21 =	vor.u32 v21, v22;
	v10 =	vmovc v12;
	v16 =	vld.idx.msk [tilespmem:v17+s11+$0x0], $0xffff;
	v17 =	vor.u32 s30, v7  }
0x23e: {  	v31 =	vadd.s32 s20, v31;
	s20 =	smov.u32 s22;
	s22 =	smov.u32 s30;
	v22 =	vor.u32 v24, v25;
	v19 =	vadd.f32 v19, v29;
	v13 =	vld.idx.msk [tilespmem:v23+s2+$0x0], $0xffff  }
0x23f: {  	v26 =	vand.u32 $0x7F, v20;
	v23 =	vand.u32 $0xFFFFFF80, v20;
	v25 =	vand.u32 $0xFFFFFF80, v28;
	v12 =	vld.idx.msk [tilespmem:v27+s2+$0x0], $0xffff  }
0x240: {  	v24 =	vand.u32 $0x7F, v28;
	v27 =	vadd.s32 s24, v23;
	v23 =	vor.u32 v32, v31;
	s24 =	smov.u32 s29;
	v20 =	vld.idx.msk [tilespmem:v30+s11+$0x0], $0xffff  }
0x241: {  	_ =	sdelay $0x3  }
0x242: {  	v18 =	vld.idx.msk [tilespmem:v18+s11+$0x0], $0xffff  }
0x243: {  	v26 =	vor.u32 v26, v27;
	v43 =	vand.u32 $0xFFFFFF80, v15;
	v14 =	vld.idx.msk [tilespmem:v14+s11+$0x0], $0xffff  }
0x244: {  	v25 =	vadd.s32 s23, v25;
	v44 =	vand.u32 $0x7F, v15;
	v27 =	vadd.s32 s19, v43  }
0x245: {  	v17 =	vld.idx.msk [tilespmem:v17+s11+$0x0], $0xffff;
	v45 =	vand.u32 $0xFFFFFF80, v16;
	v46 =	vand.u32 $0x7F, v16;
	v24 =	vor.u32 v24, v25  }
0x246: {  	v15 =	vor.u32 v44, v27;
	v27 =	vadd.s32 s20, v45;
	v47 =	vand.u32 $0xFFFFFF80, v20  }
0x247: {  	v21 =	vld.idx.msk [tilespmem:v21+s2+$0x0], $0xffff;
	v16 =	vor.u32 v46, v27;
	v48 =	vand.u32 $0x7F, v20;
	v25 =	vadd.s32 s24, v47  }
0x248: {  	v22 =	vld.idx.msk [tilespmem:v22+s2+$0x0], $0xffff;
	v49 =	vand.u32 $0xFFFFFF80, v18;
	v50 =	vand.u32 $0xFFFFFF80, v14;
	v18 =	vand.u32 $0x7F, v18  }
0x249: {  	v23 =	vld.idx.msk [tilespmem:v23+s2+$0x0], $0xffff;
	v14 =	vand.u32 $0x7F, v14;
	v20 =	vor.u32 v48, v25;
	v25 =	vadd.s32 s21, v50  }
0x24a: {  	v26 =	vld.idx.msk [tilespmem:v26+s2+$0x0], $0xffff;
	v51 =	vand.u32 $0xFFFFFF80, v17;
	v27 =	vadd.s32 s18, v49;
	v14 =	vor.u32 v14, v25  }
0x24b: {  	v17 =	vand.u32 $0x7F, v17;
	v24 =	vld.idx.msk [tilespmem:v24+s2+$0x0], $0xffff;
	v25 =	vadd.s32 s22, v51;
	v18 =	vor.u32 v18, v27  }
0x24c: {  	v15 =	vld.idx.msk [tilespmem:v15+s2+$0x0], $0xffff;
	v17 =	vor.u32 v17, v25  }
0x24d: {  	v9 =	vadd.f32 v10, v9;
	v52 =	vadd.f32 v11, v13;
	v53 =	vld.idx.msk [tilespmem:v16+s2+$0x0], $0xffff  }
0x24e: {  	v54 =	vld.idx.msk [tilespmem:v20+s2+$0x0], $0xffff  }
0x24f: {  	v8 =	vadd.f32 v19, v8;
	v9 =	vadd.f32 v52, v9;
	v55 =	vld.idx.msk [tilespmem:v14+s2+$0x0], $0xffff  }
0x250: {  	v12 =	vadd.f32 v12, v21;
	v56 =	vadd.f32 v22, v23;
	v57 =	vld.idx.msk [tilespmem:v18+s2+$0x0], $0xffff  }
0x251: {  	v17 =	vld.idx.msk [tilespmem:v17+s2+$0x0], $0xffff  }
0x252: {  	v8 =	vadd.f32 v9, v8;
	v58 =	vadd.f32 v56, v12  }
0x253: {  	v59 =	vadd.f32 v26, v15;
	v11 =	vadd.f32 v24, v53;
	_ =	sdelay $0x1  }
0x254: {  	v8 =	vadd.f32 v58, v8;
	v60 =	vadd.f32 v11, v59  }
0x255: {  	v10 =	vadd.f32 v54, v55;
	v61 =	vadd.f32 v57, v17  }
0x256: {  	v62 =	vld [tilespmem:$0x6870]  }
0x257: {  	v8 =	vadd.f32 v60, v8;
	v63 =	vadd.f32 v61, v10;
	_ =	sdelay $0x1  }
0x258: {  	v8 =	vadd.f32 v63, v8;
	_ =	sdelay $0x1  }
0x259: {  	v8 =	vadd.f32 v62, v8;
	_ =	sdelay $0x1  }
0x25a: {  	v8 =	vsub.f32 $0.0e+00, v8;
	_ =	sdelay $0x1  }
0x25b: {  	v8 =	vmul.f32 $1.442695020e+00, v8;
	_ =	sdelay $0x1  }
0x25c: {  	(erf) = vpow2.f32 v8;
	_ =	sdelay $0x8  }
0x25d: {  	v8 =	vpop (erf)  }
0x25e: {  	v8 =	vadd.f32 $1.000000000e+00, v8;
	_ =	sdelay $0x1  }
0x25f: {  	(erf) = vrcp.f32 v8;
	_ =	sdelay $0x7  }
0x260: {  	s17 =	sadd.s32 $0x1, s17  }
0x261: {  	p0 =	sne.s32 s17, s8;
	v8 =	vpop (erf)  }
.Ltmp8:
0x262: {  	[tilespmem:$0x68F0] =	vst v8;
	(pc) =	sbr.rel @p0 .LBB2_1-.Ltmp8, $4  }
0x263: {  	[hbm4b:s7+s2] =	stream.linear.scatter [tilespmem:s15], [sflag:$0x2], $0x80, $0x38;
	[tilespmem:$0x6900] =	vst v63  }
0x264: {  	_ =	swait.ge [sflag:s16], $0x80  }
0x265: {  	[sflag:s16] =	ssyncset.done $0x0  }
0x266: {  	[sflag:s16] =	ssyncadd.s32 $0xFFFFFF80  }
0x267: {  	_ =	sfence.sel $0x180000  }
0x268: {  	[bflag:$0x0] =	sbarrier.arrive $0xFFFF  }
0x269: {  	p0 =	sne.s32 s1, $0x0;
	_ =	strace $0x90000047  }
0x26a: {  	s0 =	sadd.s32 @!p0 $0x100000, s0;
	[bflag:$0x2] =	sbarrier.arrive $0xFFFF  }
0x26b: {  	[sflag:s0] =	ssyncadd.tile.s32 @!p0 $0x1;
	_ =	shalt  }
.Lfunc_end2:
_tile_overlayer_lowered:
.L_overlay_start_2:
0x26c: {  	(tag) =	ssettag $0x2  }
0x26d: {  	s0 =	rddreg [dreg:$0x0];
	s2 =	stileid.u32  }
0x26e: {  	s1 =	rddreg [dreg:$0x1];
	p0 =	sne.s32 s2, $0x0  }
0x26f: {  	s3 =	rddreg [dreg:$0x2];
	[bflag:$0x3] =	sbarrier.arrive $0xFFFF;
	s2 =	simm.s32 @!p0 $0x1C02  }
0x270: {  	[timem:s3], [sflag:s2] =	dma.local @!p0 [hbm:s0], s1  }
0x271: {  	s0 =	simm.s32 @!p0 $0x2  }
0x272: {  	_ =	swait.ge @!p0 [sflag:s0], s1  }
0x273: {  	s1 =	ssub.s32 @!p0 $0x0, s1;
	[sflag:s0] =	ssyncset.done @!p0 $0x0  }
0x274: {  	[sflag:s0] =	ssyncadd.s32 @!p0 s1  }
0x275: {  	[bflag:$0x3] =	sbarrier.arrive $0xFFFF  }
0x276: {  	_ =	shalt  }

</sc_bundles>
